<compile_context>
chip_gen: v7x
topology: tpu7x:2x2x1
jax: 0.10.2.dev20260603
libtpu: 0.0.44.dev20260713+nightly
codegen_flags: <defaults>
</compile_context>

<pallas_src>
import functools

import jax
import jax.numpy as jnp
from jax import lax
from jax.experimental import pallas as pl
from jax.experimental.pallas import tpu as pltpu
from jax.experimental.pallas import tpu_sc as plsc

EMBED = 64
LANES = 16
CHUNK = 128
SEQ = 200
BATCH = 1024
TOTAL = SEQ * BATCH
NCHUNKS = TOTAL // CHUNK


def _build_sc_kernel():
    info = plsc.get_sparse_core_info()
    nc, ns = info.num_cores, info.num_subcores
    nw = nc * ns
    per_w = NCHUNKS // nw

    mesh = plsc.VectorSubcoreMesh(core_axis_name="c", subcore_axis_name="s")

    @functools.partial(
        pl.kernel,
        mesh=mesh,
        compiler_params=pltpu.CompilerParams(use_tc_tiling_on_sc=False),
        out_type=jax.ShapeDtypeStruct((SEQ, BATCH, EMBED), jnp.float32),
        scratch_types=[
            pltpu.VMEM((2, CHUNK), jnp.int32),
            pltpu.VMEM((2, CHUNK, EMBED), jnp.float32),
            pltpu.VMEM((2, CHUNK, EMBED), jnp.float32),
            pltpu.VMEM((2, EMBED), jnp.float32),
            pltpu.SemaphoreType.DMA,
            pltpu.SemaphoreType.DMA,
            pltpu.SemaphoreType.DMA,
            pltpu.SemaphoreType.DMA,
        ],
    )
    def sc_kernel(ids_hbm, table_hbm, pos_hbm, out_hbm,
                  idx_v, rows_v, out_v, pos_v, sg0, sg1, so0, so1):
        wid = lax.axis_index("s") * nc + lax.axis_index("c")
        base = wid * per_w
        sg = (sg0, sg1)
        so = (so0, so1)

        def fetch(i, buf):
            c = base + i
            pltpu.sync_copy(ids_hbm.at[c], idx_v.at[buf])
            pltpu.sync_copy(pos_hbm.at[c >> 3], pos_v.at[buf])
            pltpu.async_copy(table_hbm.at[idx_v.at[buf]], rows_v.at[buf],
                             sg[buf])

        def blend(buf):
            pk = [pos_v[buf, pl.ds(j * LANES, LANES)] * 0.2
                  for j in range(EMBED // LANES)]

            def row_body(r, carry):
                for j in range(EMBED // LANES):
                    v = rows_v[buf, r, pl.ds(j * LANES, LANES)]
                    out_v[buf, r, pl.ds(j * LANES, LANES)] = v * 0.8 + pk[j]
                return carry

            lax.fori_loop(0, CHUNK, row_body, 0)

        def wait_gather(buf):
            pltpu.make_async_copy(table_hbm.at[idx_v.at[buf]],
                                  rows_v.at[buf], sg[buf]).wait()

        def wait_out(buf):
            pltpu.make_async_copy(out_v.at[buf],
                                  out_hbm.at[0, pl.ds(0, CHUNK)],
                                  so[buf]).wait()

        def store(i, buf):
            c = base + i
            pltpu.async_copy(out_v.at[buf],
                             out_hbm.at[c >> 3, pl.ds((c & 7) * CHUNK, CHUNK)],
                             so[buf])

        fetch(0, 0)
        fetch(1, 1)

        def step(t, carry):
            for b in range(2):
                i = 2 * t + b
                wait_gather(b)

                @pl.when(t > 0)
                def _drain():
                    wait_out(b)

                blend(b)
                store(i, b)

                @pl.when(i + 2 < per_w)
                def _prefetch():
                    fetch(i + 2, b)

            return carry

        lax.fori_loop(0, per_w // 2, step, 0)
        wait_out(0)
        wait_out(1)

    return sc_kernel


def kernel(input_ids, table, pos_embedding):
    ids2d = input_ids.reshape(NCHUNKS, CHUNK).astype(jnp.int32)
    return _build_sc_kernel()(ids2d, table, pos_embedding)

# --- scband reference (transcript-rebuilt; emitter-appended) ---
"""Pipeline reference for scband-positional-encoding-71665824301850 (READ-ONLY COPY).

The authoritative reference and input builder live on the scoring server;
editing this copy changes nothing except your own understanding.
"""

import math
import jax, jax.numpy as jnp
import numpy as np

EMBED_DIM = 64
VOCAB_SIZE = 1000000
MAX_LENGTH = 5000
ALPHA = 0.2
SEQ_LEN = 200
BATCH = 1024

def _make_pos_embedding(embed_dim, max_length):
    den = np.exp(-np.arange(0, embed_dim, 2, dtype=np.float64) * math.log(10000.0) / embed_dim)
    pos = np.arange(0, max_length, dtype=np.float64).reshape(max_length, 1)
    pe = np.zeros((max_length, embed_dim), dtype=np.float32)
    pe[:, 0::2] = np.sin(pos * den).astype(np.float32)
    pe[:, 1::2] = np.cos(pos * den).astype(np.float32)
    return jnp.asarray(pe)

def setup_inputs(seed: int = 0) -> dict:
    key = jax.random.key(seed)
    k1, k2 = jax.random.split(key)
    input_ids = jax.random.randint(k1, (SEQ_LEN, BATCH), 0, VOCAB_SIZE, dtype=jnp.int64 if jax.config.jax_enable_x64 else jnp.int32)
    table = jax.random.normal(k2, (VOCAB_SIZE, EMBED_DIM), dtype=jnp.float32) * 0.02
    pos_embedding = _make_pos_embedding(EMBED_DIM, MAX_LENGTH)
    return {"input_ids": input_ids, "table": table, "pos_embedding": pos_embedding}

def reference(input_ids, table, pos_embedding):
    # EmbeddingLayer: gather rows from table
    emb = jnp.take(table, input_ids, axis=0)  # [S, B, D]
    # Position: (1-alpha)*emb + alpha*pos_embedding[:S] (pos buffer broadcast over batch dim)
    s = emb.shape[0]
    pos = pos_embedding[:s][:, None, :]  # [S, 1, D]
    return (1.0 - ALPHA) * emb + ALPHA * pos

if __name__ == "__main__":
    import jax
    _d = setup_inputs()
    print(jax.jit(kernel)(*tuple(_d.values())))

</pallas_src>

<mosaic_0001>
#map = affine_map<(d0, d1) -> (0, 0)>
#map1 = affine_map<(d0, d1) -> (0, 0, 0)>
module attributes {stable_mosaic.version = 14 : i64} {
  func.func @sc_kernel(%arg0: i32, %arg1: i32, %arg2: memref<1600x128xi32, #tpu.memory_space<hbm>>, %arg3: memref<1000000x64xf32, #tpu.memory_space<hbm>>, %arg4: memref<5000x64xf32, #tpu.memory_space<hbm>>, %arg5: memref<200x1024x64xf32, #tpu.memory_space<hbm>>, %arg6: memref<2x128xi32, #tpu.memory_space<vmem>>, %arg7: memref<2x128x64xf32, #tpu.memory_space<vmem>>, %arg8: memref<2x128x64xf32, #tpu.memory_space<vmem>>, %arg9: memref<2x64xf32, #tpu.memory_space<vmem>>, %arg10: memref<!tpu.dma_semaphore, #tpu.memory_space<semaphore_mem>>, %arg11: memref<!tpu.dma_semaphore, #tpu.memory_space<semaphore_mem>>, %arg12: memref<!tpu.dma_semaphore, #tpu.memory_space<semaphore_mem>>, %arg13: memref<!tpu.dma_semaphore, #tpu.memory_space<semaphore_mem>>) attributes {dimension_semantics = [#tpu.dimension_semantics<core_parallel>, #tpu.dimension_semantics<subcore_parallel>], iteration_bounds = array<i64: 2, 16>, scalar_prefetch = 0 : i64, scratch_operands = 8 : i64, tpu.core_type = #tpu.core_type<sc_vector_subcore>, window_params = [{transform_indices = #map}, {transform_indices = #map}, {transform_indices = #map}, {transform_indices = #map1}]} {
    %mul3A = arith.constant 2 : i32
    %mul3A_0 = arith.muli %arg1, %mul3A : i32
    %add3A = arith.addi %mul3A_0, %arg0 : i32
    %mul3A_1 = arith.constant 50 : i32
    %mul3A_2 = arith.muli %add3A, %mul3A_1 : i32
    %add3A_3 = arith.constant 0 : i32
    %add3A_4 = arith.addi %mul3A_2, %add3A_3 : i32
    %run_scoped3A = arith.constant 0 : i32
    "tpu.region"() ({
      %run_scoped3A_76 = tpu.sem_alloc : memref<!tpu.dma_semaphore, #tpu.memory_space<semaphore_mem>>
      %dma_start3A_77 = arith.constant 0 : i32
      %dma_start3A_78 = tpu.memref_slice %arg6[%run_scoped3A, %dma_start3A_77] : memref<2x128xi32, #tpu.memory_space<vmem>> -> memref<1x128xi32, #tpu.memory_space<vmem>>
      %dma_start3A_79 = tpu.memref_squeeze %dma_start3A_78 : memref<1x128xi32, #tpu.memory_space<vmem>> -> memref<128xi32, #tpu.memory_space<vmem>>
      %dma_start3A_80 = arith.constant 0 : i32
      %dma_start3A_81 = tpu.memref_slice %arg2[%add3A_4, %dma_start3A_80] : memref<1600x128xi32, #tpu.memory_space<hbm>> -> memref<1x128xi32, #tpu.memory_space<hbm>>
      %dma_start3A_82 = tpu.memref_squeeze %dma_start3A_81 : memref<1x128xi32, #tpu.memory_space<hbm>> -> memref<128xi32, #tpu.memory_space<hbm>>
      %dma_start3A_83 = arith.constant 0 : i32
      %dma_start3A_84 = tpu.memref_slice %arg6[%run_scoped3A, %dma_start3A_83] : memref<2x128xi32, #tpu.memory_space<vmem>> -> memref<1x128xi32, #tpu.memory_space<vmem>>
      %dma_start3A_85 = tpu.memref_squeeze %dma_start3A_84 : memref<1x128xi32, #tpu.memory_space<vmem>> -> memref<128xi32, #tpu.memory_space<vmem>>
      %dma_start3A_86 = arith.constant 0 : i32
      %dma_start3A_87 = tpu.memref_slice %arg2[%add3A_4, %dma_start3A_86] : memref<1600x128xi32, #tpu.memory_space<hbm>> -> memref<1x128xi32, #tpu.memory_space<hbm>>
      %dma_start3A_88 = tpu.memref_squeeze %dma_start3A_87 : memref<1x128xi32, #tpu.memory_space<hbm>> -> memref<128xi32, #tpu.memory_space<hbm>>
      tpu.enqueue_dma source(%dma_start3A_88 : memref<128xi32, #tpu.memory_space<hbm>>) target(%dma_start3A_85 : memref<128xi32, #tpu.memory_space<vmem>>) target_semaphore(%run_scoped3A_76 : memref<!tpu.dma_semaphore, #tpu.memory_space<semaphore_mem>>)
      %dma_wait3A_89 = arith.constant 0 : i32
      %dma_wait3A_90 = tpu.memref_slice %arg6[%run_scoped3A, %dma_wait3A_89] : memref<2x128xi32, #tpu.memory_space<vmem>> -> memref<1x128xi32, #tpu.memory_space<vmem>>
      %dma_wait3A_91 = tpu.memref_squeeze %dma_wait3A_90 : memref<1x128xi32, #tpu.memory_space<vmem>> -> memref<128xi32, #tpu.memory_space<vmem>>
      %dma_wait3A_92 = arith.constant 0 : i32
      %dma_wait3A_93 = tpu.memref_slice %arg2[%add3A_4, %dma_wait3A_92] : memref<1600x128xi32, #tpu.memory_space<hbm>> -> memref<1x128xi32, #tpu.memory_space<hbm>>
      %dma_wait3A_94 = tpu.memref_squeeze %dma_wait3A_93 : memref<1x128xi32, #tpu.memory_space<hbm>> -> memref<128xi32, #tpu.memory_space<hbm>>
      %dma_wait3A_95 = arith.constant 0 : i32
      %dma_wait3A_96 = tpu.memref_slice %arg6[%run_scoped3A, %dma_wait3A_95] : memref<2x128xi32, #tpu.memory_space<vmem>> -> memref<1x128xi32, #tpu.memory_space<vmem>>
      %dma_wait3A_97 = tpu.memref_squeeze %dma_wait3A_96 : memref<1x128xi32, #tpu.memory_space<vmem>> -> memref<128xi32, #tpu.memory_space<vmem>>
      %dma_wait3A_98 = arith.constant 0 : i32
      %dma_wait3A_99 = tpu.memref_slice %arg2[%add3A_4, %dma_wait3A_98] : memref<1600x128xi32, #tpu.memory_space<hbm>> -> memref<1x128xi32, #tpu.memory_space<hbm>>
      %dma_wait3A_100 = tpu.memref_squeeze %dma_wait3A_99 : memref<1x128xi32, #tpu.memory_space<hbm>> -> memref<128xi32, #tpu.memory_space<hbm>>
      tpu.wait_dma2 semaphore(%run_scoped3A_76 : memref<!tpu.dma_semaphore, #tpu.memory_space<semaphore_mem>>) src(%dma_wait3A_100 : memref<128xi32, #tpu.memory_space<hbm>>) dst(%dma_wait3A_97 : memref<128xi32, #tpu.memory_space<vmem>>)
      tpu.yield
    }) : () -> ()
    %shift_right_arithmetic3A = arith.constant 3 : i32
    %shift_right_arithmetic3A_5 = arith.shrsi %add3A_4, %shift_right_arithmetic3A : i32
    %run_scoped3A_6 = arith.constant 0 : i32
    "tpu.region"() ({
      %run_scoped3A_76 = tpu.sem_alloc : memref<!tpu.dma_semaphore, #tpu.memory_space<semaphore_mem>>
      %dma_start3A_77 = arith.constant 0 : i32
      %dma_start3A_78 = tpu.memref_slice %arg9[%run_scoped3A_6, %dma_start3A_77] : memref<2x64xf32, #tpu.memory_space<vmem>> -> memref<1x64xf32, #tpu.memory_space<vmem>>
      %dma_start3A_79 = tpu.memref_squeeze %dma_start3A_78 : memref<1x64xf32, #tpu.memory_space<vmem>> -> memref<64xf32, #tpu.memory_space<vmem>>
      %dma_start3A_80 = arith.constant 0 : i32
      %dma_start3A_81 = tpu.memref_slice %arg4[%shift_right_arithmetic3A_5, %dma_start3A_80] : memref<5000x64xf32, #tpu.memory_space<hbm>> -> memref<1x64xf32, #tpu.memory_space<hbm>>
      %dma_start3A_82 = tpu.memref_squeeze %dma_start3A_81 : memref<1x64xf32, #tpu.memory_space<hbm>> -> memref<64xf32, #tpu.memory_space<hbm>>
      %dma_start3A_83 = arith.constant 0 : i32
      %dma_start3A_84 = tpu.memref_slice %arg9[%run_scoped3A_6, %dma_start3A_83] : memref<2x64xf32, #tpu.memory_space<vmem>> -> memref<1x64xf32, #tpu.memory_space<vmem>>
      %dma_start3A_85 = tpu.memref_squeeze %dma_start3A_84 : memref<1x64xf32, #tpu.memory_space<vmem>> -> memref<64xf32, #tpu.memory_space<vmem>>
      %dma_start3A_86 = arith.constant 0 : i32
      %dma_start3A_87 = tpu.memref_slice %arg4[%shift_right_arithmetic3A_5, %dma_start3A_86] : memref<5000x64xf32, #tpu.memory_space<hbm>> -> memref<1x64xf32, #tpu.memory_space<hbm>>
      %dma_start3A_88 = tpu.memref_squeeze %dma_start3A_87 : memref<1x64xf32, #tpu.memory_space<hbm>> -> memref<64xf32, #tpu.memory_space<hbm>>
      tpu.enqueue_dma source(%dma_start3A_88 : memref<64xf32, #tpu.memory_space<hbm>>) target(%dma_start3A_85 : memref<64xf32, #tpu.memory_space<vmem>>) target_semaphore(%run_scoped3A_76 : memref<!tpu.dma_semaphore, #tpu.memory_space<semaphore_mem>>)
      %dma_wait3A_89 = arith.constant 0 : i32
      %dma_wait3A_90 = tpu.memref_slice %arg9[%run_scoped3A_6, %dma_wait3A_89] : memref<2x64xf32, #tpu.memory_space<vmem>> -> memref<1x64xf32, #tpu.memory_space<vmem>>
      %dma_wait3A_91 = tpu.memref_squeeze %dma_wait3A_90 : memref<1x64xf32, #tpu.memory_space<vmem>> -> memref<64xf32, #tpu.memory_space<vmem>>
      %dma_wait3A_92 = arith.constant 0 : i32
      %dma_wait3A_93 = tpu.memref_slice %arg4[%shift_right_arithmetic3A_5, %dma_wait3A_92] : memref<5000x64xf32, #tpu.memory_space<hbm>> -> memref<1x64xf32, #tpu.memory_space<hbm>>
      %dma_wait3A_94 = tpu.memref_squeeze %dma_wait3A_93 : memref<1x64xf32, #tpu.memory_space<hbm>> -> memref<64xf32, #tpu.memory_space<hbm>>
      %dma_wait3A_95 = arith.constant 0 : i32
      %dma_wait3A_96 = tpu.memref_slice %arg9[%run_scoped3A_6, %dma_wait3A_95] : memref<2x64xf32, #tpu.memory_space<vmem>> -> memref<1x64xf32, #tpu.memory_space<vmem>>
      %dma_wait3A_97 = tpu.memref_squeeze %dma_wait3A_96 : memref<1x64xf32, #tpu.memory_space<vmem>> -> memref<64xf32, #tpu.memory_space<vmem>>
      %dma_wait3A_98 = arith.constant 0 : i32
      %dma_wait3A_99 = tpu.memref_slice %arg4[%shift_right_arithmetic3A_5, %dma_wait3A_98] : memref<5000x64xf32, #tpu.memory_space<hbm>> -> memref<1x64xf32, #tpu.memory_space<hbm>>
      %dma_wait3A_100 = tpu.memref_squeeze %dma_wait3A_99 : memref<1x64xf32, #tpu.memory_space<hbm>> -> memref<64xf32, #tpu.memory_space<hbm>>
      tpu.wait_dma2 semaphore(%run_scoped3A_76 : memref<!tpu.dma_semaphore, #tpu.memory_space<semaphore_mem>>) src(%dma_wait3A_100 : memref<64xf32, #tpu.memory_space<hbm>>) dst(%dma_wait3A_97 : memref<64xf32, #tpu.memory_space<vmem>>)
      tpu.yield
    }) : () -> ()
    %dma_start3A = arith.constant 0 : i32
    %dma_start3A_7 = arith.constant 0 : i32
    %dma_start3A_8 = arith.constant 0 : i32
    %dma_start3A_9 = arith.constant 0 : i32
    %dma_start3A_10 = tpu.memref_slice %arg7[%dma_start3A_7, %dma_start3A_8, %dma_start3A_9] : memref<2x128x64xf32, #tpu.memory_space<vmem>> -> memref<1x128x64xf32, #tpu.memory_space<vmem>>
    %dma_start3A_11 = tpu.memref_squeeze %dma_start3A_10 : memref<1x128x64xf32, #tpu.memory_space<vmem>> -> memref<128x64xf32, #tpu.memory_space<vmem>>
    %dma_start3A_12 = arith.constant 0 : i32
    %dma_start3A_13 = tpu.memref_slice %arg6[%dma_start3A, %dma_start3A_12] : memref<2x128xi32, #tpu.memory_space<vmem>> -> memref<1x128xi32, #tpu.memory_space<vmem>>
    %dma_start3A_14 = tpu.memref_squeeze %dma_start3A_13 : memref<1x128xi32, #tpu.memory_space<vmem>> -> memref<128xi32, #tpu.memory_space<vmem>>
    %dma_start3A_15 = arith.constant 0 : i32
    %dma_start3A_16 = arith.constant 0 : i32
    %dma_start3A_17 = tpu.memref_slice %arg3[%dma_start3A_15, %dma_start3A_16] : memref<1000000x64xf32, #tpu.memory_space<hbm>> -> memref<1000000x64xf32, #tpu.memory_space<hbm>>
    tpu.enqueue_indirect_dma source(%dma_start3A_17 : memref<1000000x64xf32, #tpu.memory_space<hbm>>) target(%dma_start3A_11 : memref<128x64xf32, #tpu.memory_space<vmem>>) offsets(%dma_start3A_14 : memref<128xi32, #tpu.memory_space<vmem>>) semaphore(%arg10 : memref<!tpu.dma_semaphore, #tpu.memory_space<semaphore_mem>>)
    %add3A_18 = arith.constant 1 : i32
    %add3A_19 = arith.addi %mul3A_2, %add3A_18 : i32
    %run_scoped3A_20 = arith.constant 1 : i32
    "tpu.region"() ({
      %run_scoped3A_76 = tpu.sem_alloc : memref<!tpu.dma_semaphore, #tpu.memory_space<semaphore_mem>>
      %dma_start3A_77 = arith.constant 0 : i32
      %dma_start3A_78 = tpu.memref_slice %arg6[%run_scoped3A_20, %dma_start3A_77] : memref<2x128xi32, #tpu.memory_space<vmem>> -> memref<1x128xi32, #tpu.memory_space<vmem>>
      %dma_start3A_79 = tpu.memref_squeeze %dma_start3A_78 : memref<1x128xi32, #tpu.memory_space<vmem>> -> memref<128xi32, #tpu.memory_space<vmem>>
      %dma_start3A_80 = arith.constant 0 : i32
      %dma_start3A_81 = tpu.memref_slice %arg2[%add3A_19, %dma_start3A_80] : memref<1600x128xi32, #tpu.memory_space<hbm>> -> memref<1x128xi32, #tpu.memory_space<hbm>>
      %dma_start3A_82 = tpu.memref_squeeze %dma_start3A_81 : memref<1x128xi32, #tpu.memory_space<hbm>> -> memref<128xi32, #tpu.memory_space<hbm>>
      %dma_start3A_83 = arith.constant 0 : i32
      %dma_start3A_84 = tpu.memref_slice %arg6[%run_scoped3A_20, %dma_start3A_83] : memref<2x128xi32, #tpu.memory_space<vmem>> -> memref<1x128xi32, #tpu.memory_space<vmem>>
      %dma_start3A_85 = tpu.memref_squeeze %dma_start3A_84 : memref<1x128xi32, #tpu.memory_space<vmem>> -> memref<128xi32, #tpu.memory_space<vmem>>
      %dma_start3A_86 = arith.constant 0 : i32
      %dma_start3A_87 = tpu.memref_slice %arg2[%add3A_19, %dma_start3A_86] : memref<1600x128xi32, #tpu.memory_space<hbm>> -> memref<1x128xi32, #tpu.memory_space<hbm>>
      %dma_start3A_88 = tpu.memref_squeeze %dma_start3A_87 : memref<1x128xi32, #tpu.memory_space<hbm>> -> memref<128xi32, #tpu.memory_space<hbm>>
      tpu.enqueue_dma source(%dma_start3A_88 : memref<128xi32, #tpu.memory_space<hbm>>) target(%dma_start3A_85 : memref<128xi32, #tpu.memory_space<vmem>>) target_semaphore(%run_scoped3A_76 : memref<!tpu.dma_semaphore, #tpu.memory_space<semaphore_mem>>)
      %dma_wait3A_89 = arith.constant 0 : i32
      %dma_wait3A_90 = tpu.memref_slice %arg6[%run_scoped3A_20, %dma_wait3A_89] : memref<2x128xi32, #tpu.memory_space<vmem>> -> memref<1x128xi32, #tpu.memory_space<vmem>>
      %dma_wait3A_91 = tpu.memref_squeeze %dma_wait3A_90 : memref<1x128xi32, #tpu.memory_space<vmem>> -> memref<128xi32, #tpu.memory_space<vmem>>
      %dma_wait3A_92 = arith.constant 0 : i32
      %dma_wait3A_93 = tpu.memref_slice %arg2[%add3A_19, %dma_wait3A_92] : memref<1600x128xi32, #tpu.memory_space<hbm>> -> memref<1x128xi32, #tpu.memory_space<hbm>>
      %dma_wait3A_94 = tpu.memref_squeeze %dma_wait3A_93 : memref<1x128xi32, #tpu.memory_space<hbm>> -> memref<128xi32, #tpu.memory_space<hbm>>
      %dma_wait3A_95 = arith.constant 0 : i32
      %dma_wait3A_96 = tpu.memref_slice %arg6[%run_scoped3A_20, %dma_wait3A_95] : memref<2x128xi32, #tpu.memory_space<vmem>> -> memref<1x128xi32, #tpu.memory_space<vmem>>
      %dma_wait3A_97 = tpu.memref_squeeze %dma_wait3A_96 : memref<1x128xi32, #tpu.memory_space<vmem>> -> memref<128xi32, #tpu.memory_space<vmem>>
      %dma_wait3A_98 = arith.constant 0 : i32
      %dma_wait3A_99 = tpu.memref_slice %arg2[%add3A_19, %dma_wait3A_98] : memref<1600x128xi32, #tpu.memory_space<hbm>> -> memref<1x128xi32, #tpu.memory_space<hbm>>
      %dma_wait3A_100 = tpu.memref_squeeze %dma_wait3A_99 : memref<1x128xi32, #tpu.memory_space<hbm>> -> memref<128xi32, #tpu.memory_space<hbm>>
      tpu.wait_dma2 semaphore(%run_scoped3A_76 : memref<!tpu.dma_semaphore, #tpu.memory_space<semaphore_mem>>) src(%dma_wait3A_100 : memref<128xi32, #tpu.memory_space<hbm>>) dst(%dma_wait3A_97 : memref<128xi32, #tpu.memory_space<vmem>>)
      tpu.yield
    }) : () -> ()
    %shift_right_arithmetic3A_21 = arith.constant 3 : i32
    %shift_right_arithmetic3A_22 = arith.shrsi %add3A_19, %shift_right_arithmetic3A_21 : i32
    %run_scoped3A_23 = arith.constant 1 : i32
    "tpu.region"() ({
      %run_scoped3A_76 = tpu.sem_alloc : memref<!tpu.dma_semaphore, #tpu.memory_space<semaphore_mem>>
      %dma_start3A_77 = arith.constant 0 : i32
      %dma_start3A_78 = tpu.memref_slice %arg9[%run_scoped3A_23, %dma_start3A_77] : memref<2x64xf32, #tpu.memory_space<vmem>> -> memref<1x64xf32, #tpu.memory_space<vmem>>
      %dma_start3A_79 = tpu.memref_squeeze %dma_start3A_78 : memref<1x64xf32, #tpu.memory_space<vmem>> -> memref<64xf32, #tpu.memory_space<vmem>>
      %dma_start3A_80 = arith.constant 0 : i32
      %dma_start3A_81 = tpu.memref_slice %arg4[%shift_right_arithmetic3A_22, %dma_start3A_80] : memref<5000x64xf32, #tpu.memory_space<hbm>> -> memref<1x64xf32, #tpu.memory_space<hbm>>
      %dma_start3A_82 = tpu.memref_squeeze %dma_start3A_81 : memref<1x64xf32, #tpu.memory_space<hbm>> -> memref<64xf32, #tpu.memory_space<hbm>>
      %dma_start3A_83 = arith.constant 0 : i32
      %dma_start3A_84 = tpu.memref_slice %arg9[%run_scoped3A_23, %dma_start3A_83] : memref<2x64xf32, #tpu.memory_space<vmem>> -> memref<1x64xf32, #tpu.memory_space<vmem>>
      %dma_start3A_85 = tpu.memref_squeeze %dma_start3A_84 : memref<1x64xf32, #tpu.memory_space<vmem>> -> memref<64xf32, #tpu.memory_space<vmem>>
      %dma_start3A_86 = arith.constant 0 : i32
      %dma_start3A_87 = tpu.memref_slice %arg4[%shift_right_arithmetic3A_22, %dma_start3A_86] : memref<5000x64xf32, #tpu.memory_space<hbm>> -> memref<1x64xf32, #tpu.memory_space<hbm>>
      %dma_start3A_88 = tpu.memref_squeeze %dma_start3A_87 : memref<1x64xf32, #tpu.memory_space<hbm>> -> memref<64xf32, #tpu.memory_space<hbm>>
      tpu.enqueue_dma source(%dma_start3A_88 : memref<64xf32, #tpu.memory_space<hbm>>) target(%dma_start3A_85 : memref<64xf32, #tpu.memory_space<vmem>>) target_semaphore(%run_scoped3A_76 : memref<!tpu.dma_semaphore, #tpu.memory_space<semaphore_mem>>)
      %dma_wait3A_89 = arith.constant 0 : i32
      %dma_wait3A_90 = tpu.memref_slice %arg9[%run_scoped3A_23, %dma_wait3A_89] : memref<2x64xf32, #tpu.memory_space<vmem>> -> memref<1x64xf32, #tpu.memory_space<vmem>>
      %dma_wait3A_91 = tpu.memref_squeeze %dma_wait3A_90 : memref<1x64xf32, #tpu.memory_space<vmem>> -> memref<64xf32, #tpu.memory_space<vmem>>
      %dma_wait3A_92 = arith.constant 0 : i32
      %dma_wait3A_93 = tpu.memref_slice %arg4[%shift_right_arithmetic3A_22, %dma_wait3A_92] : memref<5000x64xf32, #tpu.memory_space<hbm>> -> memref<1x64xf32, #tpu.memory_space<hbm>>
      %dma_wait3A_94 = tpu.memref_squeeze %dma_wait3A_93 : memref<1x64xf32, #tpu.memory_space<hbm>> -> memref<64xf32, #tpu.memory_space<hbm>>
      %dma_wait3A_95 = arith.constant 0 : i32
      %dma_wait3A_96 = tpu.memref_slice %arg9[%run_scoped3A_23, %dma_wait3A_95] : memref<2x64xf32, #tpu.memory_space<vmem>> -> memref<1x64xf32, #tpu.memory_space<vmem>>
      %dma_wait3A_97 = tpu.memref_squeeze %dma_wait3A_96 : memref<1x64xf32, #tpu.memory_space<vmem>> -> memref<64xf32, #tpu.memory_space<vmem>>
      %dma_wait3A_98 = arith.constant 0 : i32
      %dma_wait3A_99 = tpu.memref_slice %arg4[%shift_right_arithmetic3A_22, %dma_wait3A_98] : memref<5000x64xf32, #tpu.memory_space<hbm>> -> memref<1x64xf32, #tpu.memory_space<hbm>>
      %dma_wait3A_100 = tpu.memref_squeeze %dma_wait3A_99 : memref<1x64xf32, #tpu.memory_space<hbm>> -> memref<64xf32, #tpu.memory_space<hbm>>
      tpu.wait_dma2 semaphore(%run_scoped3A_76 : memref<!tpu.dma_semaphore, #tpu.memory_space<semaphore_mem>>) src(%dma_wait3A_100 : memref<64xf32, #tpu.memory_space<hbm>>) dst(%dma_wait3A_97 : memref<64xf32, #tpu.memory_space<vmem>>)
      tpu.yield
    }) : () -> ()
    %dma_start3A_24 = arith.constant 1 : i32
    %dma_start3A_25 = arith.constant 1 : i32
    %dma_start3A_26 = arith.constant 0 : i32
    %dma_start3A_27 = arith.constant 0 : i32
    %dma_start3A_28 = tpu.memref_slice %arg7[%dma_start3A_25, %dma_start3A_26, %dma_start3A_27] : memref<2x128x64xf32, #tpu.memory_space<vmem>> -> memref<1x128x64xf32, #tpu.memory_space<vmem>>
    %dma_start3A_29 = tpu.memref_squeeze %dma_start3A_28 : memref<1x128x64xf32, #tpu.memory_space<vmem>> -> memref<128x64xf32, #tpu.memory_space<vmem>>
    %dma_start3A_30 = arith.constant 0 : i32
    %dma_start3A_31 = tpu.memref_slice %arg6[%dma_start3A_24, %dma_start3A_30] : memref<2x128xi32, #tpu.memory_space<vmem>> -> memref<1x128xi32, #tpu.memory_space<vmem>>
    %dma_start3A_32 = tpu.memref_squeeze %dma_start3A_31 : memref<1x128xi32, #tpu.memory_space<vmem>> -> memref<128xi32, #tpu.memory_space<vmem>>
    %dma_start3A_33 = arith.constant 0 : i32
    %dma_start3A_34 = arith.constant 0 : i32
    %dma_start3A_35 = tpu.memref_slice %arg3[%dma_start3A_33, %dma_start3A_34] : memref<1000000x64xf32, #tpu.memory_space<hbm>> -> memref<1000000x64xf32, #tpu.memory_space<hbm>>
    tpu.enqueue_indirect_dma source(%dma_start3A_35 : memref<1000000x64xf32, #tpu.memory_space<hbm>>) target(%dma_start3A_29 : memref<128x64xf32, #tpu.memory_space<vmem>>) offsets(%dma_start3A_32 : memref<128xi32, #tpu.memory_space<vmem>>) semaphore(%arg11 : memref<!tpu.dma_semaphore, #tpu.memory_space<semaphore_mem>>)
    %scan3A = arith.constant 0 : i32
    %scan3A_36 = arith.constant 0 : i32
    %scan3A_37 = arith.constant 25 : i32
    %scan3A_38 = arith.addi %scan3A_36, %scan3A_37 : i32
    %scan3A_39 = arith.constant 1 : i32
    scf.for %scan3A_76 = %scan3A_36 to %scan3A_38 step %scan3A_39  : i32 {
      %mul3A_77 = arith.constant 2 : i32
      %mul3A_78 = arith.muli %mul3A_77, %scan3A_76 : i32
      %add3A_79 = arith.constant 0 : i32
      %add3A_80 = arith.addi %mul3A_78, %add3A_79 : i32
      %dma_wait3A_81 = arith.constant 0 : i32
      %dma_wait3A_82 = arith.constant 0 : i32
      %dma_wait3A_83 = arith.constant 0 : i32
      %dma_wait3A_84 = arith.constant 0 : i32
      %dma_wait3A_85 = tpu.memref_slice %arg7[%dma_wait3A_82, %dma_wait3A_83, %dma_wait3A_84] : memref<2x128x64xf32, #tpu.memory_space<vmem>> -> memref<1x128x64xf32, #tpu.memory_space<vmem>>
      %dma_wait3A_86 = tpu.memref_squeeze %dma_wait3A_85 : memref<1x128x64xf32, #tpu.memory_space<vmem>> -> memref<128x64xf32, #tpu.memory_space<vmem>>
      %dma_wait3A_87 = arith.constant 0 : i32
      %dma_wait3A_88 = tpu.memref_slice %arg6[%dma_wait3A_81, %dma_wait3A_87] : memref<2x128xi32, #tpu.memory_space<vmem>> -> memref<1x128xi32, #tpu.memory_space<vmem>>
      %dma_wait3A_89 = tpu.memref_squeeze %dma_wait3A_88 : memref<1x128xi32, #tpu.memory_space<vmem>> -> memref<128xi32, #tpu.memory_space<vmem>>
      %dma_wait3A_90 = arith.constant 0 : i32
      %dma_wait3A_91 = arith.constant 0 : i32
      %dma_wait3A_92 = tpu.memref_slice %arg3[%dma_wait3A_90, %dma_wait3A_91] : memref<1000000x64xf32, #tpu.memory_space<hbm>> -> memref<1000000x64xf32, #tpu.memory_space<hbm>>
      tpu.wait_indirect_dma semaphore(%arg10 : memref<!tpu.dma_semaphore, #tpu.memory_space<semaphore_mem>>) src(%dma_wait3A_92 : memref<1000000x64xf32, #tpu.memory_space<hbm>>) dst(%dma_wait3A_86 : memref<128x64xf32, #tpu.memory_space<vmem>>)
      %gt3A = arith.constant 0 : i32
      %gt3A_93 = arith.cmpi sgt, %scan3A_76, %gt3A : i32
      %convert_element_type3A = arith.extui %gt3A_93 : i1 to i32
      %cond3A = arith.constant 0 : i32
      %cond3A_94 = arith.cmpi ne, %convert_element_type3A, %cond3A : i32
      scf.if %cond3A_94 {
        %dma_wait3A_247 = arith.constant 0 : i32
        %dma_wait3A_248 = arith.constant 0 : i32
        %dma_wait3A_249 = arith.constant 0 : i32
        %dma_wait3A_250 = arith.constant 0 : i32
        %dma_wait3A_251 = tpu.memref_slice %arg8[%dma_wait3A_247, %dma_wait3A_249, %dma_wait3A_250] : memref<2x128x64xf32, #tpu.memory_space<vmem>> -> memref<1x128x64xf32, #tpu.memory_space<vmem>>
        %dma_wait3A_252 = tpu.memref_squeeze %dma_wait3A_251 : memref<1x128x64xf32, #tpu.memory_space<vmem>> -> memref<128x64xf32, #tpu.memory_space<vmem>>
        %dma_wait3A_253 = arith.constant 0 : i32
        %dma_wait3A_254 = arith.constant 0 : i32
        %dma_wait3A_255 = tpu.memref_slice %arg5[%dma_wait3A_248, %dma_wait3A_253, %dma_wait3A_254] : memref<200x1024x64xf32, #tpu.memory_space<hbm>> -> memref<1x128x64xf32, #tpu.memory_space<hbm>>
        %dma_wait3A_256 = tpu.memref_squeeze %dma_wait3A_255 : memref<1x128x64xf32, #tpu.memory_space<hbm>> -> memref<128x64xf32, #tpu.memory_space<hbm>>
        %dma_wait3A_257 = arith.constant 0 : i32
        %dma_wait3A_258 = arith.constant 0 : i32
        %dma_wait3A_259 = tpu.memref_slice %arg5[%dma_wait3A_248, %dma_wait3A_257, %dma_wait3A_258] : memref<200x1024x64xf32, #tpu.memory_space<hbm>> -> memref<1x128x64xf32, #tpu.memory_space<hbm>>
        %dma_wait3A_260 = tpu.memref_squeeze %dma_wait3A_259 : memref<1x128x64xf32, #tpu.memory_space<hbm>> -> memref<128x64xf32, #tpu.memory_space<hbm>>
        %dma_wait3A_261 = arith.constant 0 : i32
        %dma_wait3A_262 = arith.constant 0 : i32
        %dma_wait3A_263 = tpu.memref_slice %arg8[%dma_wait3A_247, %dma_wait3A_261, %dma_wait3A_262] : memref<2x128x64xf32, #tpu.memory_space<vmem>> -> memref<1x128x64xf32, #tpu.memory_space<vmem>>
        %dma_wait3A_264 = tpu.memref_squeeze %dma_wait3A_263 : memref<1x128x64xf32, #tpu.memory_space<vmem>> -> memref<128x64xf32, #tpu.memory_space<vmem>>
        tpu.wait_dma2 semaphore(%arg12 : memref<!tpu.dma_semaphore, #tpu.memory_space<semaphore_mem>>) src(%dma_wait3A_264 : memref<128x64xf32, #tpu.memory_space<vmem>>) dst(%dma_wait3A_260 : memref<128x64xf32, #tpu.memory_space<hbm>>)
      } else {
      }
      %get3A = arith.constant 0 : i32
      %get3A_95 = arith.index_cast %get3A : i32 to index
      %get3A_96 = arith.constant 0 : index
      %get3A_97 = tpu.vector_load %arg9[%get3A_95, %get3A_96] {strides = array<i32>} : memref<2x64xf32, #tpu.memory_space<vmem>>, vector<1x16xf32>,
      %get3A_98 = vector.shape_cast %get3A_97 : vector<1x16xf32> to vector<16xf32>
      %mul3A_99 = arith.constant 2.000000e-01 : f32
      %mul3A_100 = vector.broadcast %mul3A_99 : f32 to vector<16xf32>
      %mul3A_101 = arith.mulf %get3A_98, %mul3A_100 : vector<16xf32>
      %get3A_102 = arith.constant 0 : i32
      %get3A_103 = arith.index_cast %get3A_102 : i32 to index
      %get3A_104 = arith.constant 16 : index
      %get3A_105 = tpu.vector_load %arg9[%get3A_103, %get3A_104] {strides = array<i32>} : memref<2x64xf32, #tpu.memory_space<vmem>>, vector<1x16xf32>,
      %get3A_106 = vector.shape_cast %get3A_105 : vector<1x16xf32> to vector<16xf32>
      %mul3A_107 = arith.constant 2.000000e-01 : f32
      %mul3A_108 = vector.broadcast %mul3A_107 : f32 to vector<16xf32>
      %mul3A_109 = arith.mulf %get3A_106, %mul3A_108 : vector<16xf32>
      %get3A_110 = arith.constant 0 : i32
      %get3A_111 = arith.index_cast %get3A_110 : i32 to index
      %get3A_112 = arith.constant 32 : index
      %get3A_113 = tpu.vector_load %arg9[%get3A_111, %get3A_112] {strides = array<i32>} : memref<2x64xf32, #tpu.memory_space<vmem>>, vector<1x16xf32>,
      %get3A_114 = vector.shape_cast %get3A_113 : vector<1x16xf32> to vector<16xf32>
      %mul3A_115 = arith.constant 2.000000e-01 : f32
      %mul3A_116 = vector.broadcast %mul3A_115 : f32 to vector<16xf32>
      %mul3A_117 = arith.mulf %get3A_114, %mul3A_116 : vector<16xf32>
      %get3A_118 = arith.constant 0 : i32
      %get3A_119 = arith.index_cast %get3A_118 : i32 to index
      %get3A_120 = arith.constant 48 : index
      %get3A_121 = tpu.vector_load %arg9[%get3A_119, %get3A_120] {strides = array<i32>} : memref<2x64xf32, #tpu.memory_space<vmem>>, vector<1x16xf32>,
      %get3A_122 = vector.shape_cast %get3A_121 : vector<1x16xf32> to vector<16xf32>
      %mul3A_123 = arith.constant 2.000000e-01 : f32
      %mul3A_124 = vector.broadcast %mul3A_123 : f32 to vector<16xf32>
      %mul3A_125 = arith.mulf %get3A_122, %mul3A_124 : vector<16xf32>
      %scan3A_126 = arith.constant 0 : i32
      %scan3A_127 = arith.constant 0 : i32
      %scan3A_128 = arith.constant 128 : i32
      %scan3A_129 = arith.addi %scan3A_127, %scan3A_128 : i32
      %scan3A_130 = arith.constant 1 : i32
      scf.for %scan3A_247 = %scan3A_127 to %scan3A_129 step %scan3A_130  : i32 {
        %get3A_248 = arith.constant 0 : i32
        %get3A_249 = arith.index_cast %get3A_248 : i32 to index
        %get3A_250 = arith.index_cast %scan3A_247 : i32 to index
        %get3A_251 = arith.constant 0 : index
        %get3A_252 = tpu.vector_load %arg7[%get3A_249, %get3A_250, %get3A_251] {strides = array<i32>} : memref<2x128x64xf32, #tpu.memory_space<vmem>>, vector<1x1x16xf32>,
        %get3A_253 = vector.shape_cast %get3A_252 : vector<1x1x16xf32> to vector<16xf32>
        %mul3A_254 = arith.constant 8.000000e-01 : f32
        %mul3A_255 = vector.broadcast %mul3A_254 : f32 to vector<16xf32>
        %mul3A_256 = arith.mulf %get3A_253, %mul3A_255 : vector<16xf32>
        %add3A_257 = arith.addf %mul3A_256, %mul3A_101 : vector<16xf32>
        %swap3A = arith.constant 0 : i32
        %swap3A_258 = arith.index_cast %swap3A : i32 to index
        %swap3A_259 = arith.index_cast %scan3A_247 : i32 to index
        %swap3A_260 = arith.constant 0 : index
        %swap3A_261 = tpu.vector_load %arg8[%swap3A_258, %swap3A_259, %swap3A_260] {strides = array<i32>} : memref<2x128x64xf32, #tpu.memory_space<vmem>>, vector<1x1x16xf32>,
        %swap3A_262 = vector.shape_cast %swap3A_261 : vector<1x1x16xf32> to vector<16xf32>
        %swap3A_263 = vector.shape_cast %add3A_257 : vector<16xf32> to vector<1x1x16xf32>
        tpu.vector_store %arg8[%swap3A_258, %swap3A_259, %swap3A_260], %swap3A_263 {strides = array<i32>} : memref<2x128x64xf32, #tpu.memory_space<vmem>>, vector<1x1x16xf32>,
        %get3A_264 = arith.constant 0 : i32
        %get3A_265 = arith.index_cast %get3A_264 : i32 to index
        %get3A_266 = arith.index_cast %scan3A_247 : i32 to index
        %get3A_267 = arith.constant 16 : index
        %get3A_268 = tpu.vector_load %arg7[%get3A_265, %get3A_266, %get3A_267] {strides = array<i32>} : memref<2x128x64xf32, #tpu.memory_space<vmem>>, vector<1x1x16xf32>,
        %get3A_269 = vector.shape_cast %get3A_268 : vector<1x1x16xf32> to vector<16xf32>
        %mul3A_270 = arith.constant 8.000000e-01 : f32
        %mul3A_271 = vector.broadcast %mul3A_270 : f32 to vector<16xf32>
        %mul3A_272 = arith.mulf %get3A_269, %mul3A_271 : vector<16xf32>
        %add3A_273 = arith.addf %mul3A_272, %mul3A_109 : vector<16xf32>
        %swap3A_274 = arith.constant 0 : i32
        %swap3A_275 = arith.index_cast %swap3A_274 : i32 to index
        %swap3A_276 = arith.index_cast %scan3A_247 : i32 to index
        %swap3A_277 = arith.constant 16 : index
        %swap3A_278 = tpu.vector_load %arg8[%swap3A_275, %swap3A_276, %swap3A_277] {strides = array<i32>} : memref<2x128x64xf32, #tpu.memory_space<vmem>>, vector<1x1x16xf32>,
        %swap3A_279 = vector.shape_cast %swap3A_278 : vector<1x1x16xf32> to vector<16xf32>
        %swap3A_280 = vector.shape_cast %add3A_273 : vector<16xf32> to vector<1x1x16xf32>
        tpu.vector_store %arg8[%swap3A_275, %swap3A_276, %swap3A_277], %swap3A_280 {strides = array<i32>} : memref<2x128x64xf32, #tpu.memory_space<vmem>>, vector<1x1x16xf32>,
        %get3A_281 = arith.constant 0 : i32
        %get3A_282 = arith.index_cast %get3A_281 : i32 to index
        %get3A_283 = arith.index_cast %scan3A_247 : i32 to index
        %get3A_284 = arith.constant 32 : index
        %get3A_285 = tpu.vector_load %arg7[%get3A_282, %get3A_283, %get3A_284] {strides = array<i32>} : memref<2x128x64xf32, #tpu.memory_space<vmem>>, vector<1x1x16xf32>,
        %get3A_286 = vector.shape_cast %get3A_285 : vector<1x1x16xf32> to vector<16xf32>
        %mul3A_287 = arith.constant 8.000000e-01 : f32
        %mul3A_288 = vector.broadcast %mul3A_287 : f32 to vector<16xf32>
        %mul3A_289 = arith.mulf %get3A_286, %mul3A_288 : vector<16xf32>
        %add3A_290 = arith.addf %mul3A_289, %mul3A_117 : vector<16xf32>
        %swap3A_291 = arith.constant 0 : i32
        %swap3A_292 = arith.index_cast %swap3A_291 : i32 to index
        %swap3A_293 = arith.index_cast %scan3A_247 : i32 to index
        %swap3A_294 = arith.constant 32 : index
        %swap3A_295 = tpu.vector_load %arg8[%swap3A_292, %swap3A_293, %swap3A_294] {strides = array<i32>} : memref<2x128x64xf32, #tpu.memory_space<vmem>>, vector<1x1x16xf32>,
        %swap3A_296 = vector.shape_cast %swap3A_295 : vector<1x1x16xf32> to vector<16xf32>
        %swap3A_297 = vector.shape_cast %add3A_290 : vector<16xf32> to vector<1x1x16xf32>
        tpu.vector_store %arg8[%swap3A_292, %swap3A_293, %swap3A_294], %swap3A_297 {strides = array<i32>} : memref<2x128x64xf32, #tpu.memory_space<vmem>>, vector<1x1x16xf32>,
        %get3A_298 = arith.constant 0 : i32
        %get3A_299 = arith.index_cast %get3A_298 : i32 to index
        %get3A_300 = arith.index_cast %scan3A_247 : i32 to index
        %get3A_301 = arith.constant 48 : index
        %get3A_302 = tpu.vector_load %arg7[%get3A_299, %get3A_300, %get3A_301] {strides = array<i32>} : memref<2x128x64xf32, #tpu.memory_space<vmem>>, vector<1x1x16xf32>,
        %get3A_303 = vector.shape_cast %get3A_302 : vector<1x1x16xf32> to vector<16xf32>
        %mul3A_304 = arith.constant 8.000000e-01 : f32
        %mul3A_305 = vector.broadcast %mul3A_304 : f32 to vector<16xf32>
        %mul3A_306 = arith.mulf %get3A_303, %mul3A_305 : vector<16xf32>
        %add3A_307 = arith.addf %mul3A_306, %mul3A_125 : vector<16xf32>
        %swap3A_308 = arith.constant 0 : i32
        %swap3A_309 = arith.index_cast %swap3A_308 : i32 to index
        %swap3A_310 = arith.index_cast %scan3A_247 : i32 to index
        %swap3A_311 = arith.constant 48 : index
        %swap3A_312 = tpu.vector_load %arg8[%swap3A_309, %swap3A_310, %swap3A_311] {strides = array<i32>} : memref<2x128x64xf32, #tpu.memory_space<vmem>>, vector<1x1x16xf32>,
        %swap3A_313 = vector.shape_cast %swap3A_312 : vector<1x1x16xf32> to vector<16xf32>
        %swap3A_314 = vector.shape_cast %add3A_307 : vector<16xf32> to vector<1x1x16xf32>
        tpu.vector_store %arg8[%swap3A_309, %swap3A_310, %swap3A_311], %swap3A_314 {strides = array<i32>} : memref<2x128x64xf32, #tpu.memory_space<vmem>>, vector<1x1x16xf32>,
      }
      %scan3A_131 = arith.constant 128 : i32
      %add3A_132 = arith.addi %mul3A_2, %add3A_80 : i32
      %shift_right_arithmetic3A_133 = arith.constant 3 : i32
      %shift_right_arithmetic3A_134 = arith.shrsi %add3A_132, %shift_right_arithmetic3A_133 : i32
      %and3A = arith.constant 7 : i32
      %and3A_135 = arith.andi %add3A_132, %and3A : i32
      %mul3A_136 = arith.constant 128 : i32
      %mul3A_137 = arith.muli %and3A_135, %mul3A_136 : i32
      %dma_start3A_138 = arith.constant 0 : i32
      %dma_start3A_139 = arith.constant 0 : i32
      %dma_start3A_140 = arith.constant 0 : i32
      %dma_start3A_141 = tpu.memref_slice %arg8[%dma_start3A_138, %dma_start3A_139, %dma_start3A_140] : memref<2x128x64xf32, #tpu.memory_space<vmem>> -> memref<1x128x64xf32, #tpu.memory_space<vmem>>
      %dma_start3A_142 = tpu.memref_squeeze %dma_start3A_141 : memref<1x128x64xf32, #tpu.memory_space<vmem>> -> memref<128x64xf32, #tpu.memory_space<vmem>>
      %dma_start3A_143 = arith.constant 0 : i32
      %dma_start3A_144 = tpu.memref_slice %arg5[%shift_right_arithmetic3A_134, %mul3A_137, %dma_start3A_143] : memref<200x1024x64xf32, #tpu.memory_space<hbm>> -> memref<1x128x64xf32, #tpu.memory_space<hbm>>
      %dma_start3A_145 = tpu.memref_squeeze %dma_start3A_144 : memref<1x128x64xf32, #tpu.memory_space<hbm>> -> memref<128x64xf32, #tpu.memory_space<hbm>>
      %dma_start3A_146 = arith.constant 0 : i32
      %dma_start3A_147 = tpu.memref_slice %arg5[%shift_right_arithmetic3A_134, %mul3A_137, %dma_start3A_146] : memref<200x1024x64xf32, #tpu.memory_space<hbm>> -> memref<1x128x64xf32, #tpu.memory_space<hbm>>
      %dma_start3A_148 = tpu.memref_squeeze %dma_start3A_147 : memref<1x128x64xf32, #tpu.memory_space<hbm>> -> memref<128x64xf32, #tpu.memory_space<hbm>>
      %dma_start3A_149 = arith.constant 0 : i32
      %dma_start3A_150 = arith.constant 0 : i32
      %dma_start3A_151 = tpu.memref_slice %arg8[%dma_start3A_138, %dma_start3A_149, %dma_start3A_150] : memref<2x128x64xf32, #tpu.memory_space<vmem>> -> memref<1x128x64xf32, #tpu.memory_space<vmem>>
      %dma_start3A_152 = tpu.memref_squeeze %dma_start3A_151 : memref<1x128x64xf32, #tpu.memory_space<vmem>> -> memref<128x64xf32, #tpu.memory_space<vmem>>
      tpu.enqueue_dma source(%dma_start3A_152 : memref<128x64xf32, #tpu.memory_space<vmem>>) target(%dma_start3A_148 : memref<128x64xf32, #tpu.memory_space<hbm>>) target_semaphore(%arg12 : memref<!tpu.dma_semaphore, #tpu.memory_space<semaphore_mem>>)
      %add3A_153 = arith.constant 2 : i32
      %add3A_154 = arith.addi %add3A_80, %add3A_153 : i32
      %lt3A = arith.constant 50 : i32
      %lt3A_155 = arith.cmpi slt, %add3A_154, %lt3A : i32
      %convert_element_type3A_156 = arith.extui %lt3A_155 : i1 to i32
      %cond3A_157 = arith.constant 0 : i32
      %cond3A_158 = arith.cmpi ne, %convert_element_type3A_156, %cond3A_157 : i32
      scf.if %cond3A_158 {
        %add3A_247 = arith.constant 2 : i32
        %add3A_248 = arith.addi %add3A_80, %add3A_247 : i32
        %add3A_249 = arith.addi %mul3A_2, %add3A_248 : i32
        %run_scoped3A_250 = arith.constant 0 : i32
        "tpu.region"() ({
          %run_scoped3A_266 = tpu.sem_alloc : memref<!tpu.dma_semaphore, #tpu.memory_space<semaphore_mem>>
          %dma_start3A_267 = arith.constant 0 : i32
          %dma_start3A_268 = tpu.memref_slice %arg6[%run_scoped3A_250, %dma_start3A_267] : memref<2x128xi32, #tpu.memory_space<vmem>> -> memref<1x128xi32, #tpu.memory_space<vmem>>
          %dma_start3A_269 = tpu.memref_squeeze %dma_start3A_268 : memref<1x128xi32, #tpu.memory_space<vmem>> -> memref<128xi32, #tpu.memory_space<vmem>>
          %dma_start3A_270 = arith.constant 0 : i32
          %dma_start3A_271 = tpu.memref_slice %arg2[%add3A_249, %dma_start3A_270] : memref<1600x128xi32, #tpu.memory_space<hbm>> -> memref<1x128xi32, #tpu.memory_space<hbm>>
          %dma_start3A_272 = tpu.memref_squeeze %dma_start3A_271 : memref<1x128xi32, #tpu.memory_space<hbm>> -> memref<128xi32, #tpu.memory_space<hbm>>
          %dma_start3A_273 = arith.constant 0 : i32
          %dma_start3A_274 = tpu.memref_slice %arg6[%run_scoped3A_250, %dma_start3A_273] : memref<2x128xi32, #tpu.memory_space<vmem>> -> memref<1x128xi32, #tpu.memory_space<vmem>>
          %dma_start3A_275 = tpu.memref_squeeze %dma_start3A_274 : memref<1x128xi32, #tpu.memory_space<vmem>> -> memref<128xi32, #tpu.memory_space<vmem>>
          %dma_start3A_276 = arith.constant 0 : i32
          %dma_start3A_277 = tpu.memref_slice %arg2[%add3A_249, %dma_start3A_276] : memref<1600x128xi32, #tpu.memory_space<hbm>> -> memref<1x128xi32, #tpu.memory_space<hbm>>
          %dma_start3A_278 = tpu.memref_squeeze %dma_start3A_277 : memref<1x128xi32, #tpu.memory_space<hbm>> -> memref<128xi32, #tpu.memory_space<hbm>>
          tpu.enqueue_dma source(%dma_start3A_278 : memref<128xi32, #tpu.memory_space<hbm>>) target(%dma_start3A_275 : memref<128xi32, #tpu.memory_space<vmem>>) target_semaphore(%run_scoped3A_266 : memref<!tpu.dma_semaphore, #tpu.memory_space<semaphore_mem>>)
          %dma_wait3A_279 = arith.constant 0 : i32
          %dma_wait3A_280 = tpu.memref_slice %arg6[%run_scoped3A_250, %dma_wait3A_279] : memref<2x128xi32, #tpu.memory_space<vmem>> -> memref<1x128xi32, #tpu.memory_space<vmem>>
          %dma_wait3A_281 = tpu.memref_squeeze %dma_wait3A_280 : memref<1x128xi32, #tpu.memory_space<vmem>> -> memref<128xi32, #tpu.memory_space<vmem>>
          %dma_wait3A_282 = arith.constant 0 : i32
          %dma_wait3A_283 = tpu.memref_slice %arg2[%add3A_249, %dma_wait3A_282] : memref<1600x128xi32, #tpu.memory_space<hbm>> -> memref<1x128xi32, #tpu.memory_space<hbm>>
          %dma_wait3A_284 = tpu.memref_squeeze %dma_wait3A_283 : memref<1x128xi32, #tpu.memory_space<hbm>> -> memref<128xi32, #tpu.memory_space<hbm>>
          %dma_wait3A_285 = arith.constant 0 : i32
          %dma_wait3A_286 = tpu.memref_slice %arg6[%run_scoped3A_250, %dma_wait3A_285] : memref<2x128xi32, #tpu.memory_space<vmem>> -> memref<1x128xi32, #tpu.memory_space<vmem>>
          %dma_wait3A_287 = tpu.memref_squeeze %dma_wait3A_286 : memref<1x128xi32, #tpu.memory_space<vmem>> -> memref<128xi32, #tpu.memory_space<vmem>>
          %dma_wait3A_288 = arith.constant 0 : i32
          %dma_wait3A_289 = tpu.memref_slice %arg2[%add3A_249, %dma_wait3A_288] : memref<1600x128xi32, #tpu.memory_space<hbm>> -> memref<1x128xi32, #tpu.memory_space<hbm>>
          %dma_wait3A_290 = tpu.memref_squeeze %dma_wait3A_289 : memref<1x128xi32, #tpu.memory_space<hbm>> -> memref<128xi32, #tpu.memory_space<hbm>>
          tpu.wait_dma2 semaphore(%run_scoped3A_266 : memref<!tpu.dma_semaphore, #tpu.memory_space<semaphore_mem>>) src(%dma_wait3A_290 : memref<128xi32, #tpu.memory_space<hbm>>) dst(%dma_wait3A_287 : memref<128xi32, #tpu.memory_space<vmem>>)
          tpu.yield
        }) : () -> ()
        %shift_right_arithmetic3A_251 = arith.constant 3 : i32
        %shift_right_arithmetic3A_252 = arith.shrsi %add3A_249, %shift_right_arithmetic3A_251 : i32
        %run_scoped3A_253 = arith.constant 0 : i32
        "tpu.region"() ({
          %run_scoped3A_266 = tpu.sem_alloc : memref<!tpu.dma_semaphore, #tpu.memory_space<semaphore_mem>>
          %dma_start3A_267 = arith.constant 0 : i32
          %dma_start3A_268 = tpu.memref_slice %arg9[%run_scoped3A_253, %dma_start3A_267] : memref<2x64xf32, #tpu.memory_space<vmem>> -> memref<1x64xf32, #tpu.memory_space<vmem>>
          %dma_start3A_269 = tpu.memref_squeeze %dma_start3A_268 : memref<1x64xf32, #tpu.memory_space<vmem>> -> memref<64xf32, #tpu.memory_space<vmem>>
          %dma_start3A_270 = arith.constant 0 : i32
          %dma_start3A_271 = tpu.memref_slice %arg4[%shift_right_arithmetic3A_252, %dma_start3A_270] : memref<5000x64xf32, #tpu.memory_space<hbm>> -> memref<1x64xf32, #tpu.memory_space<hbm>>
          %dma_start3A_272 = tpu.memref_squeeze %dma_start3A_271 : memref<1x64xf32, #tpu.memory_space<hbm>> -> memref<64xf32, #tpu.memory_space<hbm>>
          %dma_start3A_273 = arith.constant 0 : i32
          %dma_start3A_274 = tpu.memref_slice %arg9[%run_scoped3A_253, %dma_start3A_273] : memref<2x64xf32, #tpu.memory_space<vmem>> -> memref<1x64xf32, #tpu.memory_space<vmem>>
          %dma_start3A_275 = tpu.memref_squeeze %dma_start3A_274 : memref<1x64xf32, #tpu.memory_space<vmem>> -> memref<64xf32, #tpu.memory_space<vmem>>
          %dma_start3A_276 = arith.constant 0 : i32
          %dma_start3A_277 = tpu.memref_slice %arg4[%shift_right_arithmetic3A_252, %dma_start3A_276] : memref<5000x64xf32, #tpu.memory_space<hbm>> -> memref<1x64xf32, #tpu.memory_space<hbm>>
          %dma_start3A_278 = tpu.memref_squeeze %dma_start3A_277 : memref<1x64xf32, #tpu.memory_space<hbm>> -> memref<64xf32, #tpu.memory_space<hbm>>
          tpu.enqueue_dma source(%dma_start3A_278 : memref<64xf32, #tpu.memory_space<hbm>>) target(%dma_start3A_275 : memref<64xf32, #tpu.memory_space<vmem>>) target_semaphore(%run_scoped3A_266 : memref<!tpu.dma_semaphore, #tpu.memory_space<semaphore_mem>>)
          %dma_wait3A_279 = arith.constant 0 : i32
          %dma_wait3A_280 = tpu.memref_slice %arg9[%run_scoped3A_253, %dma_wait3A_279] : memref<2x64xf32, #tpu.memory_space<vmem>> -> memref<1x64xf32, #tpu.memory_space<vmem>>
          %dma_wait3A_281 = tpu.memref_squeeze %dma_wait3A_280 : memref<1x64xf32, #tpu.memory_space<vmem>> -> memref<64xf32, #tpu.memory_space<vmem>>
          %dma_wait3A_282 = arith.constant 0 : i32
          %dma_wait3A_283 = tpu.memref_slice %arg4[%shift_right_arithmetic3A_252, %dma_wait3A_282] : memref<5000x64xf32, #tpu.memory_space<hbm>> -> memref<1x64xf32, #tpu.memory_space<hbm>>
          %dma_wait3A_284 = tpu.memref_squeeze %dma_wait3A_283 : memref<1x64xf32, #tpu.memory_space<hbm>> -> memref<64xf32, #tpu.memory_space<hbm>>
          %dma_wait3A_285 = arith.constant 0 : i32
          %dma_wait3A_286 = tpu.memref_slice %arg9[%run_scoped3A_253, %dma_wait3A_285] : memref<2x64xf32, #tpu.memory_space<vmem>> -> memref<1x64xf32, #tpu.memory_space<vmem>>
          %dma_wait3A_287 = tpu.memref_squeeze %dma_wait3A_286 : memref<1x64xf32, #tpu.memory_space<vmem>> -> memref<64xf32, #tpu.memory_space<vmem>>
          %dma_wait3A_288 = arith.constant 0 : i32
          %dma_wait3A_289 = tpu.memref_slice %arg4[%shift_right_arithmetic3A_252, %dma_wait3A_288] : memref<5000x64xf32, #tpu.memory_space<hbm>> -> memref<1x64xf32, #tpu.memory_space<hbm>>
          %dma_wait3A_290 = tpu.memref_squeeze %dma_wait3A_289 : memref<1x64xf32, #tpu.memory_space<hbm>> -> memref<64xf32, #tpu.memory_space<hbm>>
          tpu.wait_dma2 semaphore(%run_scoped3A_266 : memref<!tpu.dma_semaphore, #tpu.memory_space<semaphore_mem>>) src(%dma_wait3A_290 : memref<64xf32, #tpu.memory_space<hbm>>) dst(%dma_wait3A_287 : memref<64xf32, #tpu.memory_space<vmem>>)
          tpu.yield
        }) : () -> ()
        %dma_start3A_254 = arith.constant 0 : i32
        %dma_start3A_255 = arith.constant 0 : i32
        %dma_start3A_256 = arith.constant 0 : i32
        %dma_start3A_257 = arith.constant 0 : i32
        %dma_start3A_258 = tpu.memref_slice %arg7[%dma_start3A_255, %dma_start3A_256, %dma_start3A_257] : memref<2x128x64xf32, #tpu.memory_space<vmem>> -> memref<1x128x64xf32, #tpu.memory_space<vmem>>
        %dma_start3A_259 = tpu.memref_squeeze %dma_start3A_258 : memref<1x128x64xf32, #tpu.memory_space<vmem>> -> memref<128x64xf32, #tpu.memory_space<vmem>>
        %dma_start3A_260 = arith.constant 0 : i32
        %dma_start3A_261 = tpu.memref_slice %arg6[%dma_start3A_254, %dma_start3A_260] : memref<2x128xi32, #tpu.memory_space<vmem>> -> memref<1x128xi32, #tpu.memory_space<vmem>>
        %dma_start3A_262 = tpu.memref_squeeze %dma_start3A_261 : memref<1x128xi32, #tpu.memory_space<vmem>> -> memref<128xi32, #tpu.memory_space<vmem>>
        %dma_start3A_263 = arith.constant 0 : i32
        %dma_start3A_264 = arith.constant 0 : i32
        %dma_start3A_265 = tpu.memref_slice %arg3[%dma_start3A_263, %dma_start3A_264] : memref<1000000x64xf32, #tpu.memory_space<hbm>> -> memref<1000000x64xf32, #tpu.memory_space<hbm>>
        tpu.enqueue_indirect_dma source(%dma_start3A_265 : memref<1000000x64xf32, #tpu.memory_space<hbm>>) target(%dma_start3A_259 : memref<128x64xf32, #tpu.memory_space<vmem>>) offsets(%dma_start3A_262 : memref<128xi32, #tpu.memory_space<vmem>>) semaphore(%arg10 : memref<!tpu.dma_semaphore, #tpu.memory_space<semaphore_mem>>)
      } else {
      }
      %mul3A_159 = arith.constant 2 : i32
      %mul3A_160 = arith.muli %mul3A_159, %scan3A_76 : i32
      %add3A_161 = arith.constant 1 : i32
      %add3A_162 = arith.addi %mul3A_160, %add3A_161 : i32
      %dma_wait3A_163 = arith.constant 1 : i32
      %dma_wait3A_164 = arith.constant 1 : i32
      %dma_wait3A_165 = arith.constant 0 : i32
      %dma_wait3A_166 = arith.constant 0 : i32
      %dma_wait3A_167 = tpu.memref_slice %arg7[%dma_wait3A_164, %dma_wait3A_165, %dma_wait3A_166] : memref<2x128x64xf32, #tpu.memory_space<vmem>> -> memref<1x128x64xf32, #tpu.memory_space<vmem>>
      %dma_wait3A_168 = tpu.memref_squeeze %dma_wait3A_167 : memref<1x128x64xf32, #tpu.memory_space<vmem>> -> memref<128x64xf32, #tpu.memory_space<vmem>>
      %dma_wait3A_169 = arith.constant 0 : i32
      %dma_wait3A_170 = tpu.memref_slice %arg6[%dma_wait3A_163, %dma_wait3A_169] : memref<2x128xi32, #tpu.memory_space<vmem>> -> memref<1x128xi32, #tpu.memory_space<vmem>>
      %dma_wait3A_171 = tpu.memref_squeeze %dma_wait3A_170 : memref<1x128xi32, #tpu.memory_space<vmem>> -> memref<128xi32, #tpu.memory_space<vmem>>
      %dma_wait3A_172 = arith.constant 0 : i32
      %dma_wait3A_173 = arith.constant 0 : i32
      %dma_wait3A_174 = tpu.memref_slice %arg3[%dma_wait3A_172, %dma_wait3A_173] : memref<1000000x64xf32, #tpu.memory_space<hbm>> -> memref<1000000x64xf32, #tpu.memory_space<hbm>>
      tpu.wait_indirect_dma semaphore(%arg11 : memref<!tpu.dma_semaphore, #tpu.memory_space<semaphore_mem>>) src(%dma_wait3A_174 : memref<1000000x64xf32, #tpu.memory_space<hbm>>) dst(%dma_wait3A_168 : memref<128x64xf32, #tpu.memory_space<vmem>>)
      %gt3A_175 = arith.constant 0 : i32
      %gt3A_176 = arith.cmpi sgt, %scan3A_76, %gt3A_175 : i32
      %convert_element_type3A_177 = arith.extui %gt3A_176 : i1 to i32
      %cond3A_178 = arith.constant 0 : i32
      %cond3A_179 = arith.cmpi ne, %convert_element_type3A_177, %cond3A_178 : i32
      scf.if %cond3A_179 {
        %dma_wait3A_247 = arith.constant 1 : i32
        %dma_wait3A_248 = arith.constant 0 : i32
        %dma_wait3A_249 = arith.constant 0 : i32
        %dma_wait3A_250 = arith.constant 0 : i32
        %dma_wait3A_251 = tpu.memref_slice %arg8[%dma_wait3A_247, %dma_wait3A_249, %dma_wait3A_250] : memref<2x128x64xf32, #tpu.memory_space<vmem>> -> memref<1x128x64xf32, #tpu.memory_space<vmem>>
        %dma_wait3A_252 = tpu.memref_squeeze %dma_wait3A_251 : memref<1x128x64xf32, #tpu.memory_space<vmem>> -> memref<128x64xf32, #tpu.memory_space<vmem>>
        %dma_wait3A_253 = arith.constant 0 : i32
        %dma_wait3A_254 = arith.constant 0 : i32
        %dma_wait3A_255 = tpu.memref_slice %arg5[%dma_wait3A_248, %dma_wait3A_253, %dma_wait3A_254] : memref<200x1024x64xf32, #tpu.memory_space<hbm>> -> memref<1x128x64xf32, #tpu.memory_space<hbm>>
        %dma_wait3A_256 = tpu.memref_squeeze %dma_wait3A_255 : memref<1x128x64xf32, #tpu.memory_space<hbm>> -> memref<128x64xf32, #tpu.memory_space<hbm>>
        %dma_wait3A_257 = arith.constant 0 : i32
        %dma_wait3A_258 = arith.constant 0 : i32
        %dma_wait3A_259 = tpu.memref_slice %arg5[%dma_wait3A_248, %dma_wait3A_257, %dma_wait3A_258] : memref<200x1024x64xf32, #tpu.memory_space<hbm>> -> memref<1x128x64xf32, #tpu.memory_space<hbm>>
        %dma_wait3A_260 = tpu.memref_squeeze %dma_wait3A_259 : memref<1x128x64xf32, #tpu.memory_space<hbm>> -> memref<128x64xf32, #tpu.memory_space<hbm>>
        %dma_wait3A_261 = arith.constant 0 : i32
        %dma_wait3A_262 = arith.constant 0 : i32
        %dma_wait3A_263 = tpu.memref_slice %arg8[%dma_wait3A_247, %dma_wait3A_261, %dma_wait3A_262] : memref<2x128x64xf32, #tpu.memory_space<vmem>> -> memref<1x128x64xf32, #tpu.memory_space<vmem>>
        %dma_wait3A_264 = tpu.memref_squeeze %dma_wait3A_263 : memref<1x128x64xf32, #tpu.memory_space<vmem>> -> memref<128x64xf32, #tpu.memory_space<vmem>>
        tpu.wait_dma2 semaphore(%arg13 : memref<!tpu.dma_semaphore, #tpu.memory_space<semaphore_mem>>) src(%dma_wait3A_264 : memref<128x64xf32, #tpu.memory_space<vmem>>) dst(%dma_wait3A_260 : memref<128x64xf32, #tpu.memory_space<hbm>>)
      } else {
      }
      %get3A_180 = arith.constant 1 : i32
      %get3A_181 = arith.index_cast %get3A_180 : i32 to index
      %get3A_182 = arith.constant 0 : index
      %get3A_183 = tpu.vector_load %arg9[%get3A_181, %get3A_182] {strides = array<i32>} : memref<2x64xf32, #tpu.memory_space<vmem>>, vector<1x16xf32>,
      %get3A_184 = vector.shape_cast %get3A_183 : vector<1x16xf32> to vector<16xf32>
      %mul3A_185 = arith.constant 2.000000e-01 : f32
      %mul3A_186 = vector.broadcast %mul3A_185 : f32 to vector<16xf32>
      %mul3A_187 = arith.mulf %get3A_184, %mul3A_186 : vector<16xf32>
      %get3A_188 = arith.constant 1 : i32
      %get3A_189 = arith.index_cast %get3A_188 : i32 to index
      %get3A_190 = arith.constant 16 : index
      %get3A_191 = tpu.vector_load %arg9[%get3A_189, %get3A_190] {strides = array<i32>} : memref<2x64xf32, #tpu.memory_space<vmem>>, vector<1x16xf32>,
      %get3A_192 = vector.shape_cast %get3A_191 : vector<1x16xf32> to vector<16xf32>
      %mul3A_193 = arith.constant 2.000000e-01 : f32
      %mul3A_194 = vector.broadcast %mul3A_193 : f32 to vector<16xf32>
      %mul3A_195 = arith.mulf %get3A_192, %mul3A_194 : vector<16xf32>
      %get3A_196 = arith.constant 1 : i32
      %get3A_197 = arith.index_cast %get3A_196 : i32 to index
      %get3A_198 = arith.constant 32 : index
      %get3A_199 = tpu.vector_load %arg9[%get3A_197, %get3A_198] {strides = array<i32>} : memref<2x64xf32, #tpu.memory_space<vmem>>, vector<1x16xf32>,
      %get3A_200 = vector.shape_cast %get3A_199 : vector<1x16xf32> to vector<16xf32>
      %mul3A_201 = arith.constant 2.000000e-01 : f32
      %mul3A_202 = vector.broadcast %mul3A_201 : f32 to vector<16xf32>
      %mul3A_203 = arith.mulf %get3A_200, %mul3A_202 : vector<16xf32>
      %get3A_204 = arith.constant 1 : i32
      %get3A_205 = arith.index_cast %get3A_204 : i32 to index
      %get3A_206 = arith.constant 48 : index
      %get3A_207 = tpu.vector_load %arg9[%get3A_205, %get3A_206] {strides = array<i32>} : memref<2x64xf32, #tpu.memory_space<vmem>>, vector<1x16xf32>,
      %get3A_208 = vector.shape_cast %get3A_207 : vector<1x16xf32> to vector<16xf32>
      %mul3A_209 = arith.constant 2.000000e-01 : f32
      %mul3A_210 = vector.broadcast %mul3A_209 : f32 to vector<16xf32>
      %mul3A_211 = arith.mulf %get3A_208, %mul3A_210 : vector<16xf32>
      %scan3A_212 = arith.constant 0 : i32
      %scan3A_213 = arith.constant 0 : i32
      %scan3A_214 = arith.constant 128 : i32
      %scan3A_215 = arith.addi %scan3A_213, %scan3A_214 : i32
      %scan3A_216 = arith.constant 1 : i32
      scf.for %scan3A_247 = %scan3A_213 to %scan3A_215 step %scan3A_216  : i32 {
        %get3A_248 = arith.constant 1 : i32
        %get3A_249 = arith.index_cast %get3A_248 : i32 to index
        %get3A_250 = arith.index_cast %scan3A_247 : i32 to index
        %get3A_251 = arith.constant 0 : index
        %get3A_252 = tpu.vector_load %arg7[%get3A_249, %get3A_250, %get3A_251] {strides = array<i32>} : memref<2x128x64xf32, #tpu.memory_space<vmem>>, vector<1x1x16xf32>,
        %get3A_253 = vector.shape_cast %get3A_252 : vector<1x1x16xf32> to vector<16xf32>
        %mul3A_254 = arith.constant 8.000000e-01 : f32
        %mul3A_255 = vector.broadcast %mul3A_254 : f32 to vector<16xf32>
        %mul3A_256 = arith.mulf %get3A_253, %mul3A_255 : vector<16xf32>
        %add3A_257 = arith.addf %mul3A_256, %mul3A_187 : vector<16xf32>
        %swap3A = arith.constant 1 : i32
        %swap3A_258 = arith.index_cast %swap3A : i32 to index
        %swap3A_259 = arith.index_cast %scan3A_247 : i32 to index
        %swap3A_260 = arith.constant 0 : index
        %swap3A_261 = tpu.vector_load %arg8[%swap3A_258, %swap3A_259, %swap3A_260] {strides = array<i32>} : memref<2x128x64xf32, #tpu.memory_space<vmem>>, vector<1x1x16xf32>,
        %swap3A_262 = vector.shape_cast %swap3A_261 : vector<1x1x16xf32> to vector<16xf32>
        %swap3A_263 = vector.shape_cast %add3A_257 : vector<16xf32> to vector<1x1x16xf32>
        tpu.vector_store %arg8[%swap3A_258, %swap3A_259, %swap3A_260], %swap3A_263 {strides = array<i32>} : memref<2x128x64xf32, #tpu.memory_space<vmem>>, vector<1x1x16xf32>,
        %get3A_264 = arith.constant 1 : i32
        %get3A_265 = arith.index_cast %get3A_264 : i32 to index
        %get3A_266 = arith.index_cast %scan3A_247 : i32 to index
        %get3A_267 = arith.constant 16 : index
        %get3A_268 = tpu.vector_load %arg7[%get3A_265, %get3A_266, %get3A_267] {strides = array<i32>} : memref<2x128x64xf32, #tpu.memory_space<vmem>>, vector<1x1x16xf32>,
        %get3A_269 = vector.shape_cast %get3A_268 : vector<1x1x16xf32> to vector<16xf32>
        %mul3A_270 = arith.constant 8.000000e-01 : f32
        %mul3A_271 = vector.broadcast %mul3A_270 : f32 to vector<16xf32>
        %mul3A_272 = arith.mulf %get3A_269, %mul3A_271 : vector<16xf32>
        %add3A_273 = arith.addf %mul3A_272, %mul3A_195 : vector<16xf32>
        %swap3A_274 = arith.constant 1 : i32
        %swap3A_275 = arith.index_cast %swap3A_274 : i32 to index
        %swap3A_276 = arith.index_cast %scan3A_247 : i32 to index
        %swap3A_277 = arith.constant 16 : index
        %swap3A_278 = tpu.vector_load %arg8[%swap3A_275, %swap3A_276, %swap3A_277] {strides = array<i32>} : memref<2x128x64xf32, #tpu.memory_space<vmem>>, vector<1x1x16xf32>,
        %swap3A_279 = vector.shape_cast %swap3A_278 : vector<1x1x16xf32> to vector<16xf32>
        %swap3A_280 = vector.shape_cast %add3A_273 : vector<16xf32> to vector<1x1x16xf32>
        tpu.vector_store %arg8[%swap3A_275, %swap3A_276, %swap3A_277], %swap3A_280 {strides = array<i32>} : memref<2x128x64xf32, #tpu.memory_space<vmem>>, vector<1x1x16xf32>,
        %get3A_281 = arith.constant 1 : i32
        %get3A_282 = arith.index_cast %get3A_281 : i32 to index
        %get3A_283 = arith.index_cast %scan3A_247 : i32 to index
        %get3A_284 = arith.constant 32 : index
        %get3A_285 = tpu.vector_load %arg7[%get3A_282, %get3A_283, %get3A_284] {strides = array<i32>} : memref<2x128x64xf32, #tpu.memory_space<vmem>>, vector<1x1x16xf32>,
        %get3A_286 = vector.shape_cast %get3A_285 : vector<1x1x16xf32> to vector<16xf32>
        %mul3A_287 = arith.constant 8.000000e-01 : f32
        %mul3A_288 = vector.broadcast %mul3A_287 : f32 to vector<16xf32>
        %mul3A_289 = arith.mulf %get3A_286, %mul3A_288 : vector<16xf32>
        %add3A_290 = arith.addf %mul3A_289, %mul3A_203 : vector<16xf32>
        %swap3A_291 = arith.constant 1 : i32
        %swap3A_292 = arith.index_cast %swap3A_291 : i32 to index
        %swap3A_293 = arith.index_cast %scan3A_247 : i32 to index
        %swap3A_294 = arith.constant 32 : index
        %swap3A_295 = tpu.vector_load %arg8[%swap3A_292, %swap3A_293, %swap3A_294] {strides = array<i32>} : memref<2x128x64xf32, #tpu.memory_space<vmem>>, vector<1x1x16xf32>,
        %swap3A_296 = vector.shape_cast %swap3A_295 : vector<1x1x16xf32> to vector<16xf32>
        %swap3A_297 = vector.shape_cast %add3A_290 : vector<16xf32> to vector<1x1x16xf32>
        tpu.vector_store %arg8[%swap3A_292, %swap3A_293, %swap3A_294], %swap3A_297 {strides = array<i32>} : memref<2x128x64xf32, #tpu.memory_space<vmem>>, vector<1x1x16xf32>,
        %get3A_298 = arith.constant 1 : i32
        %get3A_299 = arith.index_cast %get3A_298 : i32 to index
        %get3A_300 = arith.index_cast %scan3A_247 : i32 to index
        %get3A_301 = arith.constant 48 : index
        %get3A_302 = tpu.vector_load %arg7[%get3A_299, %get3A_300, %get3A_301] {strides = array<i32>} : memref<2x128x64xf32, #tpu.memory_space<vmem>>, vector<1x1x16xf32>,
        %get3A_303 = vector.shape_cast %get3A_302 : vector<1x1x16xf32> to vector<16xf32>
        %mul3A_304 = arith.constant 8.000000e-01 : f32
        %mul3A_305 = vector.broadcast %mul3A_304 : f32 to vector<16xf32>
        %mul3A_306 = arith.mulf %get3A_303, %mul3A_305 : vector<16xf32>
        %add3A_307 = arith.addf %mul3A_306, %mul3A_211 : vector<16xf32>
        %swap3A_308 = arith.constant 1 : i32
        %swap3A_309 = arith.index_cast %swap3A_308 : i32 to index
        %swap3A_310 = arith.index_cast %scan3A_247 : i32 to index
        %swap3A_311 = arith.constant 48 : index
        %swap3A_312 = tpu.vector_load %arg8[%swap3A_309, %swap3A_310, %swap3A_311] {strides = array<i32>} : memref<2x128x64xf32, #tpu.memory_space<vmem>>, vector<1x1x16xf32>,
        %swap3A_313 = vector.shape_cast %swap3A_312 : vector<1x1x16xf32> to vector<16xf32>
        %swap3A_314 = vector.shape_cast %add3A_307 : vector<16xf32> to vector<1x1x16xf32>
        tpu.vector_store %arg8[%swap3A_309, %swap3A_310, %swap3A_311], %swap3A_314 {strides = array<i32>} : memref<2x128x64xf32, #tpu.memory_space<vmem>>, vector<1x1x16xf32>,
      }
      %scan3A_217 = arith.constant 128 : i32
      %add3A_218 = arith.addi %mul3A_2, %add3A_162 : i32
      %shift_right_arithmetic3A_219 = arith.constant 3 : i32
      %shift_right_arithmetic3A_220 = arith.shrsi %add3A_218, %shift_right_arithmetic3A_219 : i32
      %and3A_221 = arith.constant 7 : i32
      %and3A_222 = arith.andi %add3A_218, %and3A_221 : i32
      %mul3A_223 = arith.constant 128 : i32
      %mul3A_224 = arith.muli %and3A_222, %mul3A_223 : i32
      %dma_start3A_225 = arith.constant 1 : i32
      %dma_start3A_226 = arith.constant 0 : i32
      %dma_start3A_227 = arith.constant 0 : i32
      %dma_start3A_228 = tpu.memref_slice %arg8[%dma_start3A_225, %dma_start3A_226, %dma_start3A_227] : memref<2x128x64xf32, #tpu.memory_space<vmem>> -> memref<1x128x64xf32, #tpu.memory_space<vmem>>
      %dma_start3A_229 = tpu.memref_squeeze %dma_start3A_228 : memref<1x128x64xf32, #tpu.memory_space<vmem>> -> memref<128x64xf32, #tpu.memory_space<vmem>>
      %dma_start3A_230 = arith.constant 0 : i32
      %dma_start3A_231 = tpu.memref_slice %arg5[%shift_right_arithmetic3A_220, %mul3A_224, %dma_start3A_230] : memref<200x1024x64xf32, #tpu.memory_space<hbm>> -> memref<1x128x64xf32, #tpu.memory_space<hbm>>
      %dma_start3A_232 = tpu.memref_squeeze %dma_start3A_231 : memref<1x128x64xf32, #tpu.memory_space<hbm>> -> memref<128x64xf32, #tpu.memory_space<hbm>>
      %dma_start3A_233 = arith.constant 0 : i32
      %dma_start3A_234 = tpu.memref_slice %arg5[%shift_right_arithmetic3A_220, %mul3A_224, %dma_start3A_233] : memref<200x1024x64xf32, #tpu.memory_space<hbm>> -> memref<1x128x64xf32, #tpu.memory_space<hbm>>
      %dma_start3A_235 = tpu.memref_squeeze %dma_start3A_234 : memref<1x128x64xf32, #tpu.memory_space<hbm>> -> memref<128x64xf32, #tpu.memory_space<hbm>>
      %dma_start3A_236 = arith.constant 0 : i32
      %dma_start3A_237 = arith.constant 0 : i32
      %dma_start3A_238 = tpu.memref_slice %arg8[%dma_start3A_225, %dma_start3A_236, %dma_start3A_237] : memref<2x128x64xf32, #tpu.memory_space<vmem>> -> memref<1x128x64xf32, #tpu.memory_space<vmem>>
      %dma_start3A_239 = tpu.memref_squeeze %dma_start3A_238 : memref<1x128x64xf32, #tpu.memory_space<vmem>> -> memref<128x64xf32, #tpu.memory_space<vmem>>
      tpu.enqueue_dma source(%dma_start3A_239 : memref<128x64xf32, #tpu.memory_space<vmem>>) target(%dma_start3A_235 : memref<128x64xf32, #tpu.memory_space<hbm>>) target_semaphore(%arg13 : memref<!tpu.dma_semaphore, #tpu.memory_space<semaphore_mem>>)
      %add3A_240 = arith.constant 2 : i32
      %add3A_241 = arith.addi %add3A_162, %add3A_240 : i32
      %lt3A_242 = arith.constant 50 : i32
      %lt3A_243 = arith.cmpi slt, %add3A_241, %lt3A_242 : i32
      %convert_element_type3A_244 = arith.extui %lt3A_243 : i1 to i32
      %cond3A_245 = arith.constant 0 : i32
      %cond3A_246 = arith.cmpi ne, %convert_element_type3A_244, %cond3A_245 : i32
      scf.if %cond3A_246 {
        %add3A_247 = arith.constant 2 : i32
        %add3A_248 = arith.addi %add3A_162, %add3A_247 : i32
        %add3A_249 = arith.addi %mul3A_2, %add3A_248 : i32
        %run_scoped3A_250 = arith.constant 1 : i32
        "tpu.region"() ({
          %run_scoped3A_266 = tpu.sem_alloc : memref<!tpu.dma_semaphore, #tpu.memory_space<semaphore_mem>>
          %dma_start3A_267 = arith.constant 0 : i32
          %dma_start3A_268 = tpu.memref_slice %arg6[%run_scoped3A_250, %dma_start3A_267] : memref<2x128xi32, #tpu.memory_space<vmem>> -> memref<1x128xi32, #tpu.memory_space<vmem>>
          %dma_start3A_269 = tpu.memref_squeeze %dma_start3A_268 : memref<1x128xi32, #tpu.memory_space<vmem>> -> memref<128xi32, #tpu.memory_space<vmem>>
          %dma_start3A_270 = arith.constant 0 : i32
          %dma_start3A_271 = tpu.memref_slice %arg2[%add3A_249, %dma_start3A_270] : memref<1600x128xi32, #tpu.memory_space<hbm>> -> memref<1x128xi32, #tpu.memory_space<hbm>>
          %dma_start3A_272 = tpu.memref_squeeze %dma_start3A_271 : memref<1x128xi32, #tpu.memory_space<hbm>> -> memref<128xi32, #tpu.memory_space<hbm>>
          %dma_start3A_273 = arith.constant 0 : i32
          %dma_start3A_274 = tpu.memref_slice %arg6[%run_scoped3A_250, %dma_start3A_273] : memref<2x128xi32, #tpu.memory_space<vmem>> -> memref<1x128xi32, #tpu.memory_space<vmem>>
          %dma_start3A_275 = tpu.memref_squeeze %dma_start3A_274 : memref<1x128xi32, #tpu.memory_space<vmem>> -> memref<128xi32, #tpu.memory_space<vmem>>
          %dma_start3A_276 = arith.constant 0 : i32
          %dma_start3A_277 = tpu.memref_slice %arg2[%add3A_249, %dma_start3A_276] : memref<1600x128xi32, #tpu.memory_space<hbm>> -> memref<1x128xi32, #tpu.memory_space<hbm>>
          %dma_start3A_278 = tpu.memref_squeeze %dma_start3A_277 : memref<1x128xi32, #tpu.memory_space<hbm>> -> memref<128xi32, #tpu.memory_space<hbm>>
          tpu.enqueue_dma source(%dma_start3A_278 : memref<128xi32, #tpu.memory_space<hbm>>) target(%dma_start3A_275 : memref<128xi32, #tpu.memory_space<vmem>>) target_semaphore(%run_scoped3A_266 : memref<!tpu.dma_semaphore, #tpu.memory_space<semaphore_mem>>)
          %dma_wait3A_279 = arith.constant 0 : i32
          %dma_wait3A_280 = tpu.memref_slice %arg6[%run_scoped3A_250, %dma_wait3A_279] : memref<2x128xi32, #tpu.memory_space<vmem>> -> memref<1x128xi32, #tpu.memory_space<vmem>>
          %dma_wait3A_281 = tpu.memref_squeeze %dma_wait3A_280 : memref<1x128xi32, #tpu.memory_space<vmem>> -> memref<128xi32, #tpu.memory_space<vmem>>
          %dma_wait3A_282 = arith.constant 0 : i32
          %dma_wait3A_283 = tpu.memref_slice %arg2[%add3A_249, %dma_wait3A_282] : memref<1600x128xi32, #tpu.memory_space<hbm>> -> memref<1x128xi32, #tpu.memory_space<hbm>>
          %dma_wait3A_284 = tpu.memref_squeeze %dma_wait3A_283 : memref<1x128xi32, #tpu.memory_space<hbm>> -> memref<128xi32, #tpu.memory_space<hbm>>
          %dma_wait3A_285 = arith.constant 0 : i32
          %dma_wait3A_286 = tpu.memref_slice %arg6[%run_scoped3A_250, %dma_wait3A_285] : memref<2x128xi32, #tpu.memory_space<vmem>> -> memref<1x128xi32, #tpu.memory_space<vmem>>
          %dma_wait3A_287 = tpu.memref_squeeze %dma_wait3A_286 : memref<1x128xi32, #tpu.memory_space<vmem>> -> memref<128xi32, #tpu.memory_space<vmem>>
          %dma_wait3A_288 = arith.constant 0 : i32
          %dma_wait3A_289 = tpu.memref_slice %arg2[%add3A_249, %dma_wait3A_288] : memref<1600x128xi32, #tpu.memory_space<hbm>> -> memref<1x128xi32, #tpu.memory_space<hbm>>
          %dma_wait3A_290 = tpu.memref_squeeze %dma_wait3A_289 : memref<1x128xi32, #tpu.memory_space<hbm>> -> memref<128xi32, #tpu.memory_space<hbm>>
          tpu.wait_dma2 semaphore(%run_scoped3A_266 : memref<!tpu.dma_semaphore, #tpu.memory_space<semaphore_mem>>) src(%dma_wait3A_290 : memref<128xi32, #tpu.memory_space<hbm>>) dst(%dma_wait3A_287 : memref<128xi32, #tpu.memory_space<vmem>>)
          tpu.yield
        }) : () -> ()
        %shift_right_arithmetic3A_251 = arith.constant 3 : i32
        %shift_right_arithmetic3A_252 = arith.shrsi %add3A_249, %shift_right_arithmetic3A_251 : i32
        %run_scoped3A_253 = arith.constant 1 : i32
        "tpu.region"() ({
          %run_scoped3A_266 = tpu.sem_alloc : memref<!tpu.dma_semaphore, #tpu.memory_space<semaphore_mem>>
          %dma_start3A_267 = arith.constant 0 : i32
          %dma_start3A_268 = tpu.memref_slice %arg9[%run_scoped3A_253, %dma_start3A_267] : memref<2x64xf32, #tpu.memory_space<vmem>> -> memref<1x64xf32, #tpu.memory_space<vmem>>
          %dma_start3A_269 = tpu.memref_squeeze %dma_start3A_268 : memref<1x64xf32, #tpu.memory_space<vmem>> -> memref<64xf32, #tpu.memory_space<vmem>>
          %dma_start3A_270 = arith.constant 0 : i32
          %dma_start3A_271 = tpu.memref_slice %arg4[%shift_right_arithmetic3A_252, %dma_start3A_270] : memref<5000x64xf32, #tpu.memory_space<hbm>> -> memref<1x64xf32, #tpu.memory_space<hbm>>
          %dma_start3A_272 = tpu.memref_squeeze %dma_start3A_271 : memref<1x64xf32, #tpu.memory_space<hbm>> -> memref<64xf32, #tpu.memory_space<hbm>>
          %dma_start3A_273 = arith.constant 0 : i32
          %dma_start3A_274 = tpu.memref_slice %arg9[%run_scoped3A_253, %dma_start3A_273] : memref<2x64xf32, #tpu.memory_space<vmem>> -> memref<1x64xf32, #tpu.memory_space<vmem>>
          %dma_start3A_275 = tpu.memref_squeeze %dma_start3A_274 : memref<1x64xf32, #tpu.memory_space<vmem>> -> memref<64xf32, #tpu.memory_space<vmem>>
          %dma_start3A_276 = arith.constant 0 : i32
          %dma_start3A_277 = tpu.memref_slice %arg4[%shift_right_arithmetic3A_252, %dma_start3A_276] : memref<5000x64xf32, #tpu.memory_space<hbm>> -> memref<1x64xf32, #tpu.memory_space<hbm>>
          %dma_start3A_278 = tpu.memref_squeeze %dma_start3A_277 : memref<1x64xf32, #tpu.memory_space<hbm>> -> memref<64xf32, #tpu.memory_space<hbm>>
          tpu.enqueue_dma source(%dma_start3A_278 : memref<64xf32, #tpu.memory_space<hbm>>) target(%dma_start3A_275 : memref<64xf32, #tpu.memory_space<vmem>>) target_semaphore(%run_scoped3A_266 : memref<!tpu.dma_semaphore, #tpu.memory_space<semaphore_mem>>)
          %dma_wait3A_279 = arith.constant 0 : i32
          %dma_wait3A_280 = tpu.memref_slice %arg9[%run_scoped3A_253, %dma_wait3A_279] : memref<2x64xf32, #tpu.memory_space<vmem>> -> memref<1x64xf32, #tpu.memory_space<vmem>>
          %dma_wait3A_281 = tpu.memref_squeeze %dma_wait3A_280 : memref<1x64xf32, #tpu.memory_space<vmem>> -> memref<64xf32, #tpu.memory_space<vmem>>
          %dma_wait3A_282 = arith.constant 0 : i32
          %dma_wait3A_283 = tpu.memref_slice %arg4[%shift_right_arithmetic3A_252, %dma_wait3A_282] : memref<5000x64xf32, #tpu.memory_space<hbm>> -> memref<1x64xf32, #tpu.memory_space<hbm>>
          %dma_wait3A_284 = tpu.memref_squeeze %dma_wait3A_283 : memref<1x64xf32, #tpu.memory_space<hbm>> -> memref<64xf32, #tpu.memory_space<hbm>>
          %dma_wait3A_285 = arith.constant 0 : i32
          %dma_wait3A_286 = tpu.memref_slice %arg9[%run_scoped3A_253, %dma_wait3A_285] : memref<2x64xf32, #tpu.memory_space<vmem>> -> memref<1x64xf32, #tpu.memory_space<vmem>>
          %dma_wait3A_287 = tpu.memref_squeeze %dma_wait3A_286 : memref<1x64xf32, #tpu.memory_space<vmem>> -> memref<64xf32, #tpu.memory_space<vmem>>
          %dma_wait3A_288 = arith.constant 0 : i32
          %dma_wait3A_289 = tpu.memref_slice %arg4[%shift_right_arithmetic3A_252, %dma_wait3A_288] : memref<5000x64xf32, #tpu.memory_space<hbm>> -> memref<1x64xf32, #tpu.memory_space<hbm>>
          %dma_wait3A_290 = tpu.memref_squeeze %dma_wait3A_289 : memref<1x64xf32, #tpu.memory_space<hbm>> -> memref<64xf32, #tpu.memory_space<hbm>>
          tpu.wait_dma2 semaphore(%run_scoped3A_266 : memref<!tpu.dma_semaphore, #tpu.memory_space<semaphore_mem>>) src(%dma_wait3A_290 : memref<64xf32, #tpu.memory_space<hbm>>) dst(%dma_wait3A_287 : memref<64xf32, #tpu.memory_space<vmem>>)
          tpu.yield
        }) : () -> ()
        %dma_start3A_254 = arith.constant 1 : i32
        %dma_start3A_255 = arith.constant 1 : i32
        %dma_start3A_256 = arith.constant 0 : i32
        %dma_start3A_257 = arith.constant 0 : i32
        %dma_start3A_258 = tpu.memref_slice %arg7[%dma_start3A_255, %dma_start3A_256, %dma_start3A_257] : memref<2x128x64xf32, #tpu.memory_space<vmem>> -> memref<1x128x64xf32, #tpu.memory_space<vmem>>
        %dma_start3A_259 = tpu.memref_squeeze %dma_start3A_258 : memref<1x128x64xf32, #tpu.memory_space<vmem>> -> memref<128x64xf32, #tpu.memory_space<vmem>>
        %dma_start3A_260 = arith.constant 0 : i32
        %dma_start3A_261 = tpu.memref_slice %arg6[%dma_start3A_254, %dma_start3A_260] : memref<2x128xi32, #tpu.memory_space<vmem>> -> memref<1x128xi32, #tpu.memory_space<vmem>>
        %dma_start3A_262 = tpu.memref_squeeze %dma_start3A_261 : memref<1x128xi32, #tpu.memory_space<vmem>> -> memref<128xi32, #tpu.memory_space<vmem>>
        %dma_start3A_263 = arith.constant 0 : i32
        %dma_start3A_264 = arith.constant 0 : i32
        %dma_start3A_265 = tpu.memref_slice %arg3[%dma_start3A_263, %dma_start3A_264] : memref<1000000x64xf32, #tpu.memory_space<hbm>> -> memref<1000000x64xf32, #tpu.memory_space<hbm>>
        tpu.enqueue_indirect_dma source(%dma_start3A_265 : memref<1000000x64xf32, #tpu.memory_space<hbm>>) target(%dma_start3A_259 : memref<128x64xf32, #tpu.memory_space<vmem>>) offsets(%dma_start3A_262 : memref<128xi32, #tpu.memory_space<vmem>>) semaphore(%arg11 : memref<!tpu.dma_semaphore, #tpu.memory_space<semaphore_mem>>)
      } else {
      }
    }
    %scan3A_40 = arith.constant 25 : i32
    %dma_wait3A = arith.constant 0 : i32
    %dma_wait3A_41 = arith.constant 0 : i32
    %dma_wait3A_42 = arith.constant 0 : i32
    %dma_wait3A_43 = arith.constant 0 : i32
    %dma_wait3A_44 = tpu.memref_slice %arg8[%dma_wait3A, %dma_wait3A_42, %dma_wait3A_43] : memref<2x128x64xf32, #tpu.memory_space<vmem>> -> memref<1x128x64xf32, #tpu.memory_space<vmem>>
    %dma_wait3A_45 = tpu.memref_squeeze %dma_wait3A_44 : memref<1x128x64xf32, #tpu.memory_space<vmem>> -> memref<128x64xf32, #tpu.memory_space<vmem>>
    %dma_wait3A_46 = arith.constant 0 : i32
    %dma_wait3A_47 = arith.constant 0 : i32
    %dma_wait3A_48 = tpu.memref_slice %arg5[%dma_wait3A_41, %dma_wait3A_46, %dma_wait3A_47] : memref<200x1024x64xf32, #tpu.memory_space<hbm>> -> memref<1x128x64xf32, #tpu.memory_space<hbm>>
    %dma_wait3A_49 = tpu.memref_squeeze %dma_wait3A_48 : memref<1x128x64xf32, #tpu.memory_space<hbm>> -> memref<128x64xf32, #tpu.memory_space<hbm>>
    %dma_wait3A_50 = arith.constant 0 : i32
    %dma_wait3A_51 = arith.constant 0 : i32
    %dma_wait3A_52 = tpu.memref_slice %arg5[%dma_wait3A_41, %dma_wait3A_50, %dma_wait3A_51] : memref<200x1024x64xf32, #tpu.memory_space<hbm>> -> memref<1x128x64xf32, #tpu.memory_space<hbm>>
    %dma_wait3A_53 = tpu.memref_squeeze %dma_wait3A_52 : memref<1x128x64xf32, #tpu.memory_space<hbm>> -> memref<128x64xf32, #tpu.memory_space<hbm>>
    %dma_wait3A_54 = arith.constant 0 : i32
    %dma_wait3A_55 = arith.constant 0 : i32
    %dma_wait3A_56 = tpu.memref_slice %arg8[%dma_wait3A, %dma_wait3A_54, %dma_wait3A_55] : memref<2x128x64xf32, #tpu.memory_space<vmem>> -> memref<1x128x64xf32, #tpu.memory_space<vmem>>
    %dma_wait3A_57 = tpu.memref_squeeze %dma_wait3A_56 : memref<1x128x64xf32, #tpu.memory_space<vmem>> -> memref<128x64xf32, #tpu.memory_space<vmem>>
    tpu.wait_dma2 semaphore(%arg12 : memref<!tpu.dma_semaphore, #tpu.memory_space<semaphore_mem>>) src(%dma_wait3A_57 : memref<128x64xf32, #tpu.memory_space<vmem>>) dst(%dma_wait3A_53 : memref<128x64xf32, #tpu.memory_space<hbm>>)
    %dma_wait3A_58 = arith.constant 1 : i32
    %dma_wait3A_59 = arith.constant 0 : i32
    %dma_wait3A_60 = arith.constant 0 : i32
    %dma_wait3A_61 = arith.constant 0 : i32
    %dma_wait3A_62 = tpu.memref_slice %arg8[%dma_wait3A_58, %dma_wait3A_60, %dma_wait3A_61] : memref<2x128x64xf32, #tpu.memory_space<vmem>> -> memref<1x128x64xf32, #tpu.memory_space<vmem>>
    %dma_wait3A_63 = tpu.memref_squeeze %dma_wait3A_62 : memref<1x128x64xf32, #tpu.memory_space<vmem>> -> memref<128x64xf32, #tpu.memory_space<vmem>>
    %dma_wait3A_64 = arith.constant 0 : i32
    %dma_wait3A_65 = arith.constant 0 : i32
    %dma_wait3A_66 = tpu.memref_slice %arg5[%dma_wait3A_59, %dma_wait3A_64, %dma_wait3A_65] : memref<200x1024x64xf32, #tpu.memory_space<hbm>> -> memref<1x128x64xf32, #tpu.memory_space<hbm>>
    %dma_wait3A_67 = tpu.memref_squeeze %dma_wait3A_66 : memref<1x128x64xf32, #tpu.memory_space<hbm>> -> memref<128x64xf32, #tpu.memory_space<hbm>>
    %dma_wait3A_68 = arith.constant 0 : i32
    %dma_wait3A_69 = arith.constant 0 : i32
    %dma_wait3A_70 = tpu.memref_slice %arg5[%dma_wait3A_59, %dma_wait3A_68, %dma_wait3A_69] : memref<200x1024x64xf32, #tpu.memory_space<hbm>> -> memref<1x128x64xf32, #tpu.memory_space<hbm>>
    %dma_wait3A_71 = tpu.memref_squeeze %dma_wait3A_70 : memref<1x128x64xf32, #tpu.memory_space<hbm>> -> memref<128x64xf32, #tpu.memory_space<hbm>>
    %dma_wait3A_72 = arith.constant 0 : i32
    %dma_wait3A_73 = arith.constant 0 : i32
    %dma_wait3A_74 = tpu.memref_slice %arg8[%dma_wait3A_58, %dma_wait3A_72, %dma_wait3A_73] : memref<2x128x64xf32, #tpu.memory_space<vmem>> -> memref<1x128x64xf32, #tpu.memory_space<vmem>>
    %dma_wait3A_75 = tpu.memref_squeeze %dma_wait3A_74 : memref<1x128x64xf32, #tpu.memory_space<vmem>> -> memref<128x64xf32, #tpu.memory_space<vmem>>
    tpu.wait_dma2 semaphore(%arg13 : memref<!tpu.dma_semaphore, #tpu.memory_space<semaphore_mem>>) src(%dma_wait3A_75 : memref<128x64xf32, #tpu.memory_space<vmem>>) dst(%dma_wait3A_71 : memref<128x64xf32, #tpu.memory_space<hbm>>)
    return
  }
}

</mosaic_0001>

<sc_bundles>
// kernel: kernel.3.cloned.1.call-start
scs
__scs_entry_jumppad:
0x0: {  	(pc) =	sbr.rel $0x88, $3  }
0x1: {  	(tag) =	ssettag $0x0;
	lr =	simm.s32 $0x1  }
0x2: {  	[smem:$0x3F9E] =	sst lr;
	_ =	strace $0xD0000000  }
0x3: {  	_ = 	snop  }
0x4: {  	_ = 	snop  }
0x5: {  	_ = 	snop  }
0x6: {  	_ = 	snop  }
0x7: {  	_ = 	snop  }
__scs_overlays_trampoline_lowered:
0x8: {  	[smem:$0x3FAD] =	sst s0  }
0x9: {  	[smem:$0x3FAE] =	sst s1  }
0xa: {  	[smem:$0x3FAF] =	sst s2  }
0xb: {  	[smem:$0x3FB0] =	sst s3  }
0xc: {  	[smem:$0x3FB1] =	sst s4  }
0xd: {  	[smem:$0x3FB2] =	sst s5  }
0xe: {  	[smem:$0x3FB3] =	sst s6  }
0xf: {  	[smem:$0x3FB4] =	sst s7  }
0x10: {  	[smem:$0x3FB5] =	sst s8  }
0x11: {  	[smem:$0x3FB6] =	sst s9;
	s0 =	simm.s32 @!p0 $0x0  }
0x12: {  	s1 =	sld [smem:$0x3F9C];
	s0 =	simm.s32 @p0 $0x1  }
0x13: {  	[smem:$0x3FB7] =	sst s0;
	s0 =	simm.s32 @!p1 $0x0  }
0x14: {  	s2 =	sld [smem:$0x3F9B];
	s0 =	simm.s32 @p1 $0x1  }
0x15: {  	[smem:$0x3FB8] =	sst s0;
	s0 =	simm.s32 @!p2 $0x0  }
0x16: {  	s3 =	sld [smem:$0x3FDB];
	s0 =	simm.s32 @p2 $0x1  }
0x17: {  	s4 =	simm.s32 $0x1BF5;
	[smem:$0x3FBA] =	sst s0  }
0x18: {  	s0 =	sld [smem:$0x3F9D];
	_ =	swait.ge [sflag:s4], $0x0  }
0x19: {  	s7 =	sld [smem:$0x3F9E]  }
0x1a: {  	s8 =	sadd.s32 $0xFFFFE003, lr  }
0x1b: {  	s9 =	sadd.s32 $0xFFFFFEF7, lr;
	s5 =	simm.s32 $0xFFFFFFFF;
	p2 =	slt.u32 s8, $0xFFFFF086  }
0x1c: {  	p1 =	slt.u32 s9, $0xF7A;
	s5 =	simm.s32 @!p2 $0x0  }
0x1d: {  	s5 =	simm.s32 @p1 $0x1;
	p0 =	seq.s32 s7, s2  }
0x1e: {  	s7 =	smul.u32 @!p0 $0xF7A, s2;
	p2 =	seq.s32 @!p0 s5, $0x0  }
0x1f: {  	s9 =	smul.u32 $0xF7A, s1;
	s8 =	simm.s32 @!p0 $0x1BF5;
	p2 =	por !p2, p0  }
0x20: {  	[sflag:s8] =	ssyncset.s32 @!p0 $0xFFFFF086;
	s6 =	sadd.s32 @!p0 s3, s7;
	s7 =	simm.s32 @!p0 $0x108  }
0x21: {  	s3 =	sadd.s32 s3, s9;
	s6 =	sadd.s32 @!p0 $0x88, s6;
	s7 =	simm.s32 @p2 $0x1082  }
0x22: {  	[simem:s7], [sflag:s8] =	dma.local @!p0 [hbm:s6], $0xF7A  }
0x23: {  	s9 =	sor.u32 $0xD0000000, s2;
	s6 =	simm.s32 $0x108;
	_ =	swait.ge @!p0 [sflag:s8], $0x0  }
0x24: {  	s3 =	sadd.s32 $0x88, s3;
	s6 =	simm.s32 @!p1 $0x1082;
	[sflag:s4] =	ssyncset.s32 $0xFFFFF086  }
0x25: {  	[simem:s6], [sflag:s4] =	dma.local [hbm:s3], $0xF7A  }
0x26: {  	[smem:$0x3F9E] =	sst s1;
	(tag) =	ssettag s2;
	_ =	strace s9  }
0x27: {  	s1 =	sld [smem:$0x3FAE]  }
0x28: {  	s2 =	sld [smem:$0x3FAF]  }
0x29: {  	s4 =	sld [smem:$0x3FB1]  }
0x2a: {  	p0 =	seq.s32 s5, $0x0;
	s5 =	sld [smem:$0x3FB2]  }
0x2b: {  	s6 =	sld [smem:$0x3FB3]  }
0x2c: {  	s7 =	sld [smem:$0x3FB4]  }
0x2d: {  	s3 =	simm.s32 $0x108;
	s8 =	sld [smem:$0x3FB5]  }
0x2e: {  	s3 =	simm.s32 @!p0 $0x1082;
	s9 =	sld [smem:$0x3FB6]  }
0x2f: {  	lr =	sadd.s32 s0, s3;
	s0 =	sld [smem:$0x3FAD]  }
0x30: {  	s3 =	sld [smem:$0x3FB0]  }
0x31: {  	[smem:$0x3FB9] =	sst s10  }
0x32: {  	s10 =	sld [smem:$0x3FB7];
	_ =	sdelay $0x3  }
0x33: {  	p0 =	seq.s32 s10, $0x1;
	s10 =	sld [smem:$0x3FB9];
	_ =	sdelay $0x3  }
0x34: {  	[smem:$0x3FB9] =	sst s10  }
0x35: {  	s10 =	sld [smem:$0x3FB8];
	_ =	sdelay $0x3  }
0x36: {  	p1 =	seq.s32 s10, $0x1;
	s10 =	sld [smem:$0x3FB9];
	_ =	sdelay $0x3  }
0x37: {  	[smem:$0x3FB9] =	sst s10  }
0x38: {  	s10 =	sld [smem:$0x3FBA]  }
0x39: {  	_ = 	snop;
	(pc) =	sbr.ind lr, $3  }
0x3a: {  	_ = 	snop  }
0x3b: {  	_ = 	snop  }
0x3c: {  	p2 =	seq.s32 s10, $0x1;
	s10 =	sld [smem:$0x3FB9]  }
0x3d: {  	_ =	shalt  }
0x3e: {  	_ =	shalt  }
0x3f: {  	_ =	shalt  }
0x40: {  	_ =	shalt  }
0x41: {  	_ =	shalt  }
0x42: {  	_ =	shalt  }
0x43: {  	_ =	shalt  }
0x44: {  	_ =	shalt  }
0x45: {  	_ =	shalt  }
0x46: {  	_ =	shalt  }
0x47: {  	_ =	shalt  }
0x48: {  	_ =	shalt  }
0x49: {  	_ =	shalt  }
0x4a: {  	_ =	shalt  }
0x4b: {  	_ =	shalt  }
0x4c: {  	_ =	shalt  }
0x4d: {  	_ =	shalt  }
0x4e: {  	_ =	shalt  }
0x4f: {  	_ =	shalt  }
0x50: {  	_ =	shalt  }
0x51: {  	_ =	shalt  }
0x52: {  	_ =	shalt  }
0x53: {  	_ =	shalt  }
0x54: {  	_ =	shalt  }
0x55: {  	_ =	shalt  }
0x56: {  	_ =	shalt  }
0x57: {  	_ =	shalt  }
0x58: {  	_ =	shalt  }
0x59: {  	_ =	shalt  }
0x5a: {  	_ =	shalt  }
0x5b: {  	_ =	shalt  }
0x5c: {  	_ =	shalt  }
0x5d: {  	_ =	shalt  }
0x5e: {  	_ =	shalt  }
0x5f: {  	_ =	shalt  }
0x60: {  	_ =	shalt  }
0x61: {  	_ =	shalt  }
0x62: {  	_ =	shalt  }
0x63: {  	_ =	shalt  }
0x64: {  	_ =	shalt  }
0x65: {  	_ =	shalt  }
0x66: {  	_ =	shalt  }
0x67: {  	_ =	shalt  }
0x68: {  	_ =	shalt  }
0x69: {  	_ =	shalt  }
0x6a: {  	_ =	shalt  }
0x6b: {  	_ =	shalt  }
0x6c: {  	_ =	shalt  }
0x6d: {  	_ =	shalt  }
0x6e: {  	_ =	shalt  }
0x6f: {  	_ =	shalt  }
0x70: {  	_ =	shalt  }
0x71: {  	_ =	shalt  }
0x72: {  	_ =	shalt  }
0x73: {  	_ =	shalt  }
0x74: {  	_ =	shalt  }
0x75: {  	_ =	shalt  }
0x76: {  	_ =	shalt  }
0x77: {  	_ =	shalt  }
0x78: {  	_ =	shalt  }
0x79: {  	_ =	shalt  }
0x7a: {  	_ =	shalt  }
0x7b: {  	_ =	shalt  }
0x7c: {  	_ =	shalt  }
0x7d: {  	_ =	shalt  }
0x7e: {  	_ =	shalt  }
0x7f: {  	_ =	shalt  }
0x80: {  	_ =	shalt  }
0x81: {  	_ =	shalt  }
0x82: {  	_ =	shalt  }
0x83: {  	_ =	shalt  }
0x84: {  	_ =	shalt  }
0x85: {  	_ =	shalt  }
0x86: {  	_ =	shalt  }
0x87: {  	_ =	shalt  }
.Lfunc_end0:
.L_simem_size_0:
called_computation.1_lowered:
.L_overlay_start_0:
0x88: {  	s2 =	sld [smem:$0x3FD9]  }
0x89: {  	s3 =	sld [smem:$0x3FFE];
	_ =	sdelay $0x1  }
0x8a: {  	s1 =	srdreg.scid  }
0x8b: {  	s0 =	sand.u32 $0x1, s1  }
0x8c: {  	s17 =	sshll.u32 s0, $0xA;
	s2 =	sadd.s32 s3, s2  }
0x8d: {  	s2 =	sadd.s32 s2, s17  }
0x8e: {  	[smem:$0x3FC5] =	sst s2  }
0x8f: {  	_ = 	snop  }
0x90: {  	s2 =	sld [smem:$0x3FD0];
	(tm) =	ssettm $0x1  }
0x91: {  	s18 =	sld [smem:$0x3FFB];
	_ =	sdelay $0x3  }
0x92: {  	_ =	strace s18  }
0x93: {  	s3 =	sld [smem:$0x3FFC];
	_ =	sdelay $0x3  }
0x94: {  	_ =	strace s3  }
0x95: {  	s3 =	sld [smem:$0x3FFD];
	_ =	sdelay $0x3  }
0x96: {  	_ =	strace s3  }
0x97: {  	_ =	strace $0x8FFFFFFF  }
0x98: {  	s19 =	sld [smem:$0x3FDB];
	_ =	sdelay $0x1  }
0x99: {  	s4 =	simm.s32 $_scs_section_size  }
0x9a: {  	s5 =	simm.s32 $_size__tile_overlayer_lowered;
	s6 =	simm.s32 $_tile_overlayer_lowered  }
0x9b: {  	s22 =	simm.s32 $0x1BFF;
	s21 =	sshll.u32 s6, $0x1;
	s3 =	sadd.s32 s4, s19  }
0x9c: {  	s7 =	simm.s32 $0x0;
	s20 =	sshll.u32 s5, $0x1;
	s5 =	sadd.s32 s21, s3  }
0x9d: {  	[timem:s7], [sflag:s22] =	dma.local [hbm:s5], s20  }
0x9e: {  	_ =	swait.ge [sflag:s22], s20  }
0x9f: {  	s4 =	ssub.s32 $0x0, s20;
	[sflag:s22] =	ssyncset.done $0x0  }
0xa0: {  	[sflag:s22] =	ssyncadd.s32 s4;
	_ =	sdelay $0x1  }
0xa1: {  	s23 =	simm.s32 $0x1B8B  }
0xa2: {  	_ =	swait.ge [sflag:s23], $0x1  }
0xa3: {  	[sflag:s23] =	ssyncset.done $0x0  }
0xa4: {  	s25 =	simm.s32 $0x1B8E;
	s24 =	sld [smem:$0x3FFE];
	[sflag:s23] =	ssyncadd.s32 $0xFFFFFFFF  }
0xa5: {  	s26 =	simm.s32 $execute0_lowered;
	[smem:$0x3FD2] =	sst s25  }
0xa6: {  	s5 =	sshll.u32 s26, $0x1;
	_ =	strace $0x80000046;
	[dreg:$0x1] =	wrdreg $0xFFFFFFFF  }
0xa7: {  	s28 =	simm.s32 $_size_execute0_lowered;
	s3 =	sadd.s32 s3, s5;
	[dreg:$0x0] =	wrdreg $0x0  }
0xa8: {  	s5 =	sshll.u32 s28, $0x1;
	[dreg:$0x2] =	wrdreg s3  }
0xa9: {  	[dreg:$0x3] =	wrdreg s5  }
0xaa: {  	[dreg:$0x4] =	wrdreg $0xC0  }
0xab: {  	_ =	task [dreg:s7], $0x5FFFF  }
0xac: {  	[dreg:$0x1] =	wrdreg $0xFFFFFFFF  }
0xad: {  	[dreg:$0x0] =	wrdreg $0x60  }
0xae: {  	[dreg:$0x2] =	wrdreg s24  }
0xaf: {  	[dreg:$0x3] =	wrdreg s2  }
0xb0: {  	[dreg:$0x4] =	wrdreg $0x9  }
0xb1: {  	_ =	task.clear_ibuf [dreg:s7], $0x5FFFF;
	_ =	strace $0x90000046  }
0xb2: {  	s29 =	simm.s32 $0x9;
	_ =	strace $0x80000048  }
0xb3: {  	_ =	swait.ge [sflag:s29], $0x1  }
0xb4: {  	[sflag:s29] =	ssyncadd.s32 $0xFFFFFFFF  }
0xb5: {  	_ =	strace $0x90000048  }
0xb6: {  	_ =	sfence  }
0xb7: {  	s30 =	sld [smem:$0x0];
	_ =	sdelay $0x2  }
0xb8: {  	s31 =	sshll.u32 s1, $0xD;
	s1 =	sshrl.u32 s1, $0x2  }
0xb9: {  	s3 =	sand.u32 $0x4000, s31;
	s1 =	sadd.s32 s1, s30  }
0xba: {  	s0 =	sor.u32 s3, s0;
	s1 =	sshll.u32 s1, $0x11  }
0xbb: {  	s0 =	sor.u32 s1, s0  }
0xbc: {  	s0 =	sadd.s32 $0x8F2B, s0  }
0xbd: {  	[sflag:s0] =	ssyncadd.remote.s32 $0x1  }
0xbe: {  	_ =	sfence.sel $0xFFFF  }
0xbf: {  	[dreg:$0x0] =	wrdreg $0xFFFFFFFF;
	(pc) =	sbr.abs _section_cstart, $3  }
0xc0: {  	[dreg:$0x1] =	wrdreg $0xFFFFFFFF  }
0xc1: {  	_ =	task.clear_ibuf [dreg:s7], $0x2FFFF;
	_ =	strace $0x9FFFFFFF  }
0xc2: {  	(tm) =	ssettm $0x7FFFFFFF  }
0xc3: {  	_ =	shalt  }
tec
execute0_lowered:
.L_overlay_start_1:
0x0: {  	(tag) =	ssettag $0x1  }
0x1: {  	s0 =	rddreg [dreg:$0x0]  }
0x2: {  	s2 =	rddreg [dreg:$0x1]  }
0x3: {  	s1 =	srdreg.scid;
	s4 =	stileid.u32;
	s3 =	simm.s32 $0x0  }
0x4: {  	s15 =	simm.s32 $0x5;
	s16 =	simm.s32 $0x8100;
	s17 =	simm.s32 $0x80  }
0x5: {  	s18 =	simm.s32 $0x100;
	s19 =	simm.s32 $0x8140;
	s20 =	simm.s32 $0x2100  }
0x6: {  	s21 =	simm.s32 $0x1;
	s22 =	simm.s32 $0x4100;
	s23 =	simm.s32 $0x2  }
0x7: {  	s24 =	simm.s32 $0x4;
	s1 =	sand.u32 $0x1, s1;
	s4 =	sshll.u32 s4, $0x1  }
0x8: {  	s25 =	simm.s32 $0x6100;
	s26 =	simm.s32 $0x3;
	s7 =	sor.u32 s1, s4  }
0x9: {  	s28 =	simm.s32 $0x0;
	[smem:$0x7FF] =	sst s3;
	s5 =	smul.u32 $0x32, s7  }
0xa: {  	s6 =	sadd.s32 $0xF43000, s0;
	s1 =	ssub.s32 $0x2, s1;
	s8 =	smul.u32 $0x320, s7  }
.Ltmp0:
0xb: {  	_ =	strace $0x80000047;
	s30 =	sshrl.u32 s1, $0x1;
	(pc) =	sbr.rel .LBB2_1-.Ltmp0, $4  }
0xc: {  	s4 =	sadd.s32 $0xAA00, s0;
	s7 =	sadd.s32 $0xC00, s0;
	s0 =	ssub.s32 s1, s30  }
0xd: {  	s9 =	sand.u32 $0x7F8, s5;
	s8 =	sadd.s32 s4, s8;
	s11 =	sadd.s32 $0x2, s5  }
0xe: {  	s12 =	sor.u32 $0x1, s5;
	s13 =	sadd.s32 $0x3, s5;
	s31 =	sadd.s32 $0x10, s8  }
0xf: {  	s14 =	smax.u32 s0, $0x1;
	s9 =	sadd.s32 s7, s9;
	[dreg:$0x3] =	wrdreg s31  }
.LBB2_12:
0x10: {  	s28 =	sadd.s32 $0x1, s28  }
0x11: {  	_ =	swait.ge [sflag:s26], $0x2000;
	p0 =	sne.s32 s28, s14  }
.Ltmp1:
0x12: {  	[sflag:s26] =	ssyncset.done $0x0;
	(pc) =	sbr.rel @!p0 .LBB2_13-.Ltmp1, $4  }
0x13: {  	[sflag:s26] =	ssyncadd.s32 $0xFFFFE000  }
0x14: {  	_ =	swait.ge [sflag:s24], $0x2000  }
0x15: {  	[sflag:s24] =	ssyncset.done $0x0  }
0x16: {  	[sflag:s24] =	ssyncadd.s32 $0xFFFFE000  }
.LBB2_1:
0x17: {  	[tilespmem:s3], [sflag:$0x5] =	stream.linear.gather [hbm4b:s8+s3], $0x80, $0x38;
	[tilespmem:$0x8180] =	vst v63  }
0x18: {  	_ =	swait.ge [sflag:s15], $0x80  }
0x19: {  	[sflag:s15] =	ssyncset.done $0x0  }
0x1a: {  	[sflag:s15] =	ssyncadd.s32 $0xFFFFFF80  }
0x1b: {  	[tilespmem:s16], [sflag:$0x5] =	stream.linear.gather [hbm4b:s9+s3], $0x40, $0x38;
	[tilespmem:$0x8180] =	vst v63  }
0x1c: {  	_ =	swait.ge [sflag:s15], $0x40  }
0x1d: {  	[sflag:s15] =	ssyncset.done $0x0  }
0x1e: {  	[sflag:s15] =	ssyncadd.s32 $0xFFFFFFC0  }
0x1f: {  	[tilespmem:s18], [sflag:$0x1] =	stream.indirect.gather [hbm4b:s6+s17], $0x40, s3, s17, $0xb8;
	[tilespmem:$0x8180] =	vst v63  }
0x20: {  	s0 =	rddreg [dreg:$0x3]  }
0x21: {  	[tilespmem:s17], [sflag:$0x5] =	stream.linear.gather [hbm4b:s0+s3], $0x80, $0x38;
	[tilespmem:$0x8180] =	vst v63  }
0x22: {  	_ =	swait.ge [sflag:s15], $0x80  }
0x23: {  	[sflag:s15] =	ssyncset.done $0x0  }
0x24: {  	[sflag:s15] =	ssyncadd.s32 $0xFFFFFF80  }
0x25: {  	[tilespmem:s19], [sflag:$0x5] =	stream.linear.gather [hbm4b:s9+s3], $0x40, $0x38;
	[tilespmem:$0x8180] =	vst v63  }
0x26: {  	_ =	swait.ge [sflag:s15], $0x40  }
0x27: {  	[sflag:s15] =	ssyncset.done $0x0  }
0x28: {  	s29 =	simm.s32 $0x0;
	[sflag:s15] =	ssyncadd.s32 $0xFFFFFFC0  }
0x29: {  	[tilespmem:s20], [sflag:$0x2] =	stream.indirect.gather [hbm4b:s6+s17], $0x40, s17, s17, $0xb8;
	[tilespmem:$0x8180] =	vst v63  }
.LBB2_2:
0x2a: {  	_ =	swait.ge [sflag:s21], $0x2000  }
0x2b: {  	p0 =	seq.s32 s29, $0x0;
	[sflag:s21] =	ssyncset.done $0x0  }
0x2c: {  	s0 =	simm.s32 @!p0 $0x3;
	[sflag:s21] =	ssyncadd.s32 $0xFFFFE000  }
0x2d: {  	_ =	swait.ge @!p0 [sflag:s0], $0x2000  }
0x2e: {  	[sflag:s0] =	ssyncset.done @!p0 $0x0  }
0x2f: {  	[sflag:s0] =	ssyncadd.s32 @!p0 $0xFFFFE000  }
0x30: {  	v0 =	vld [tilespmem:$0x8100]  }
0x31: {  	v3 =	vld [tilespmem:$0x8110]  }
0x32: {  	v5 =	vld [tilespmem:$0x8120]  }
0x33: {  	s0 =	simm.s32 $0x0;
	v1 =	vld [tilespmem:$0x8130]  }
0x34: {  	v2 =	vld [tilespmem:s0+$0x130]  }
0x35: {  	v6 =	vld [tilespmem:s0+$0x100]  }
0x36: {  	v8 =	vld [tilespmem:s0+$0x110]  }
0x37: {  	v9 =	vld [tilespmem:s0+$0x120];
	_ =	sdelay $0x1  }
0x38: {  	s31 =	simm.s32 $0x40;
	v1 =	vmul.f32 $2.000000030e-01, v1;
	v7 =	vmul.f32 $8.000000110e-01, v2  }
0x39: {  	v4 =	vld [tilespmem:s31+$0x130];
	v2 =	vmul.f32 $2.000000030e-01, v0;
	v10 =	vmul.f32 $8.000000110e-01, v6  }
0x3a: {  	v6 =	vld [tilespmem:s31+$0x100];
	v3 =	vmul.f32 $2.000000030e-01, v3;
	v8 =	vmul.f32 $8.000000110e-01, v8;
	v11 =	vadd.f32 v7, v1  }
0x3b: {  	v0 =	vmul.f32 $2.000000030e-01, v5;
	v12 =	vmul.f32 $8.000000110e-01, v9;
	v7 =	vld [tilespmem:s31+$0x110];
	v10 =	vadd.f32 v10, v2  }
0x3c: {  	v5 =	vld [tilespmem:s31+$0x120];
	v9 =	vadd.f32 v8, v3;
	[tilespmem:s0+$0x4130] =	vst v11  }
0x3d: {  	s30 =	sshll.u32 s29, $0x1;
	s1 =	simm.s32 $0x200;
	v8 =	vadd.f32 v12, v0;
	[tilespmem:s0+$0x4100] =	vst v10  }
.LBB2_3:
0x3e: {  	s10 =	sshra.s32 s1, $0x2;
	p1 =	sne.s32 s1, $0x7F00;
	s1 =	sadd.s32 $0x100, s1;
	v10 =	vmul.f32 $8.000000110e-01, v4;
	[tilespmem:s0+$0x4110] =	vst v9  }
.Ltmp2:
0x3f: {  	v4 =	vld [tilespmem:s10+$0x130];
	v9 =	vmul.f32 $8.000000110e-01, v6;
	[tilespmem:s0+$0x4120] =	vst v8;
	s0 =	smov.u32 s31;
	s31 =	smov.u32 s10;
	(pc) =	sbr.rel @p1 .LBB2_3-.Ltmp2, $4  }
0x40: {  	v6 =	vld [tilespmem:s31+$0x100];
	v8 =	vmul.f32 $8.000000110e-01, v7;
	v10 =	vadd.f32 v10, v1  }
0x41: {  	v7 =	vld [tilespmem:s31+$0x110];
	v11 =	vadd.f32 v9, v2;
	v12 =	vmul.f32 $8.000000110e-01, v5  }
0x42: {  	v5 =	vld [tilespmem:s31+$0x120];
	v9 =	vadd.f32 v8, v3;
	[tilespmem:s0+$0x4130] =	vst v10  }
0x43: {  	[tilespmem:s0+$0x4100] =	vst v11;
	v8 =	vadd.f32 v12, v0  }
0x44: {  	v4 =	vmul.f32 $8.000000110e-01, v4  }
0x45: {  	v6 =	vmul.f32 $8.000000110e-01, v6  }
0x46: {  	[tilespmem:s0+$0x4110] =	vst v9;
	v7 =	vmul.f32 $8.000000110e-01, v7;
	v1 =	vadd.f32 v4, v1  }
0x47: {  	p1 =	sne.s32 s29, $0x18;
	[tilespmem:s0+$0x4120] =	vst v8;
	v2 =	vadd.f32 v6, v2;
	v63 =	vmul.f32 $8.000000110e-01, v5  }
.Ltmp3:
0x48: {  	v3 =	vadd.f32 v7, v3;
	[tilespmem:s31+$0x4130] =	vst v1;
	(pc) =	sbr.rel @p1 .LBB2_6-.Ltmp3, $4  }
0x49: {  	s10 =	sadd.s32 s5, s30;
	[tilespmem:s31+$0x4100] =	vst v2;
	v0 =	vadd.f32 v63, v0  }
0x4a: {  	s0 =	sshll.u32 s10, $0xA;
	[tilespmem:s31+$0x4110] =	vst v3  }
0x4b: {  	s0 =	sadd.s32 s2, s0;
	[tilespmem:s31+$0x4120] =	vst v0  }
0x4c: {  	[hbm4b:s0+s3] =	stream.linear.scatter [tilespmem:s22], [sflag:$0x3], $0x2000, $0x38;
	[tilespmem:$0x8180] =	vst v63  }
.Ltmp4:
0x4d: {  	(pc) =	sbr.rel .LBB2_7-.Ltmp4, $4  }
0x4e: {  	_ = 	snop  }
0x4f: {  	_ =	swait.ge [sflag:s23], $0x2000  }
0x50: {  	[sflag:s23] =	ssyncset.done $0x0  }
0x51: {  	[sflag:s23] =	ssyncadd.s32 $0xFFFFE000  }
.LBB2_6:
0x52: {  	s0 =	sadd.s32 s30, s11  }
0x53: {  	s1 =	sshll.u32 s0, $0x4  }
0x54: {  	s1 =	sand.u32 $0x1FFFFFE0, s1  }
0x55: {  	s1 =	sadd.s32 s4, s1  }
0x56: {  	[tilespmem:s3], [sflag:$0x5] =	stream.linear.gather [hbm4b:s1+s3], $0x80, $0x38;
	[tilespmem:$0x8180] =	vst v63  }
0x57: {  	_ =	swait.ge [sflag:s15], $0x80  }
0x58: {  	s0 =	sand.u32 $0xFF8, s0;
	[sflag:s15] =	ssyncset.done $0x0  }
0x59: {  	s0 =	sadd.s32 s7, s0;
	[sflag:s15] =	ssyncadd.s32 $0xFFFFFF80  }
0x5a: {  	[tilespmem:s16], [sflag:$0x5] =	stream.linear.gather [hbm4b:s0+s3], $0x40, $0x38;
	[tilespmem:$0x8180] =	vst v63  }
0x5b: {  	_ =	swait.ge [sflag:s15], $0x40  }
0x5c: {  	[sflag:s15] =	ssyncset.done $0x0  }
.Ltmp5:
0x5d: {  	[sflag:s15] =	ssyncadd.s32 $0xFFFFFFC0;
	(pc) =	sbr.rel @p0 .LBB2_8-.Ltmp5, $4  }
0x5e: {  	[tilespmem:s18], [sflag:$0x1] =	stream.indirect.gather [hbm4b:s6+s17], $0x40, s3, s17, $0xb8;
	[tilespmem:$0x8180] =	vst v63  }
0x5f: {  	_ =	swait.ge [sflag:s23], $0x2000  }
0x60: {  	[sflag:s23] =	ssyncset.done $0x0  }
0x61: {  	[sflag:s23] =	ssyncadd.s32 $0xFFFFE000  }
.LBB2_7:
0x62: {  	_ =	swait.ge [sflag:s24], $0x2000  }
0x63: {  	[sflag:s24] =	ssyncset.done $0x0  }
0x64: {  	[sflag:s24] =	ssyncadd.s32 $0xFFFFE000  }
.LBB2_8:
0x65: {  	v0 =	vld [tilespmem:$0x8140]  }
0x66: {  	v3 =	vld [tilespmem:$0x8150]  }
0x67: {  	v5 =	vld [tilespmem:$0x8160]  }
0x68: {  	v1 =	vld [tilespmem:$0x8170];
	s0 =	simm.s32 $0x0  }
0x69: {  	v2 =	vld [tilespmem:s0+$0x2130]  }
0x6a: {  	v6 =	vld [tilespmem:s0+$0x2100]  }
0x6b: {  	v8 =	vld [tilespmem:s0+$0x2110]  }
0x6c: {  	v9 =	vld [tilespmem:s0+$0x2120];
	_ =	sdelay $0x1  }
0x6d: {  	s31 =	simm.s32 $0x40;
	v1 =	vmul.f32 $2.000000030e-01, v1;
	v7 =	vmul.f32 $8.000000110e-01, v2  }
0x6e: {  	v4 =	vld [tilespmem:s31+$0x2130];
	v2 =	vmul.f32 $2.000000030e-01, v0;
	v10 =	vmul.f32 $8.000000110e-01, v6  }
0x6f: {  	v3 =	vmul.f32 $2.000000030e-01, v3;
	v6 =	vld [tilespmem:s31+$0x2100];
	v8 =	vmul.f32 $8.000000110e-01, v8;
	v11 =	vadd.f32 v7, v1  }
0x70: {  	v0 =	vmul.f32 $2.000000030e-01, v5;
	v12 =	vmul.f32 $8.000000110e-01, v9;
	v7 =	vld [tilespmem:s31+$0x2110];
	v10 =	vadd.f32 v10, v2  }
0x71: {  	v5 =	vld [tilespmem:s31+$0x2120];
	v9 =	vadd.f32 v8, v3;
	[tilespmem:s0+$0x6130] =	vst v11  }
0x72: {  	s1 =	simm.s32 $0x200;
	v8 =	vadd.f32 v12, v0;
	[tilespmem:s0+$0x6100] =	vst v10  }
.LBB2_9:
0x73: {  	s10 =	sshra.s32 s1, $0x2;
	p0 =	sne.s32 s1, $0x7F00;
	s1 =	sadd.s32 $0x100, s1;
	v10 =	vmul.f32 $8.000000110e-01, v4;
	[tilespmem:s0+$0x6110] =	vst v9  }
.Ltmp6:
0x74: {  	v4 =	vld [tilespmem:s10+$0x2130];
	v9 =	vmul.f32 $8.000000110e-01, v6;
	[tilespmem:s0+$0x6120] =	vst v8;
	s0 =	smov.u32 s31;
	s31 =	smov.u32 s10;
	(pc) =	sbr.rel @p0 .LBB2_9-.Ltmp6, $4  }
0x75: {  	v6 =	vld [tilespmem:s31+$0x2100];
	v8 =	vmul.f32 $8.000000110e-01, v7;
	v10 =	vadd.f32 v10, v1  }
0x76: {  	v7 =	vld [tilespmem:s31+$0x2110];
	v11 =	vadd.f32 v9, v2;
	v12 =	vmul.f32 $8.000000110e-01, v5  }
0x77: {  	v5 =	vld [tilespmem:s31+$0x2120];
	v9 =	vadd.f32 v8, v3;
	[tilespmem:s0+$0x6130] =	vst v10  }
0x78: {  	[tilespmem:s0+$0x6100] =	vst v11;
	v8 =	vadd.f32 v12, v0  }
0x79: {  	v4 =	vmul.f32 $8.000000110e-01, v4  }
0x7a: {  	v6 =	vmul.f32 $8.000000110e-01, v6  }
0x7b: {  	[tilespmem:s0+$0x6110] =	vst v9;
	v7 =	vmul.f32 $8.000000110e-01, v7;
	v1 =	vadd.f32 v4, v1  }
0x7c: {  	p0 =	seq.s32 s29, $0x18;
	[tilespmem:s0+$0x6120] =	vst v8;
	v2 =	vadd.f32 v6, v2;
	v63 =	vmul.f32 $8.000000110e-01, v5  }
.Ltmp7:
0x7d: {  	s10 =	sadd.s32 s30, s12;
	v3 =	vadd.f32 v7, v3;
	[tilespmem:s31+$0x6130] =	vst v1;
	(pc) =	sbr.rel @p0 .LBB2_12-.Ltmp7, $4  }
0x7e: {  	s0 =	sshll.u32 s10, $0xA;
	[tilespmem:s31+$0x6100] =	vst v2;
	v0 =	vadd.f32 v63, v0  }
0x7f: {  	s0 =	sand.u32 $0xFFFFC00, s0;
	[tilespmem:s31+$0x6110] =	vst v3  }
0x80: {  	s0 =	sadd.s32 s2, s0;
	[tilespmem:s31+$0x6120] =	vst v0  }
0x81: {  	[hbm4b:s0+s3] =	stream.linear.scatter [tilespmem:s25], [sflag:$0x4], $0x2000, $0x38;
	[tilespmem:$0x8180] =	vst v63  }
0x82: {  	s0 =	sadd.s32 s30, s13  }
0x83: {  	s1 =	sshll.u32 s0, $0x4  }
0x84: {  	s1 =	sand.u32 $0x1FFFFFF0, s1  }
0x85: {  	s1 =	sadd.s32 s4, s1  }
0x86: {  	[tilespmem:s17], [sflag:$0x5] =	stream.linear.gather [hbm4b:s1+s3], $0x80, $0x38;
	[tilespmem:$0x8180] =	vst v63  }
0x87: {  	_ =	swait.ge [sflag:s15], $0x80  }
0x88: {  	s0 =	sand.u32 $0xFF8, s0;
	[sflag:s15] =	ssyncset.done $0x0  }
0x89: {  	s0 =	sadd.s32 s7, s0;
	[sflag:s15] =	ssyncadd.s32 $0xFFFFFF80  }
0x8a: {  	[tilespmem:s19], [sflag:$0x5] =	stream.linear.gather [hbm4b:s0+s3], $0x40, $0x38;
	[tilespmem:$0x8180] =	vst v63  }
.Ltmp8:
0x8b: {  	_ = 	snop;
	(pc) =	sbr.rel .LBB2_2-.Ltmp8, $4  }
0x8c: {  	_ =	swait.ge [sflag:s15], $0x40  }
0x8d: {  	[sflag:s15] =	ssyncset.done $0x0  }
0x8e: {  	s29 =	sadd.s32 $0x1, s29;
	[sflag:s15] =	ssyncadd.s32 $0xFFFFFFC0  }
0x8f: {  	[tilespmem:s20], [sflag:$0x2] =	stream.indirect.gather [hbm4b:s6+s17], $0x40, s17, s17, $0xb8;
	[tilespmem:$0x8180] =	vst v63  }
.LBB2_13:
0x90: {  	_ =	sfence.sel $0x180000  }
0x91: {  	[bflag:$0x0] =	sbarrier.arrive $0xFFFF  }
0x92: {  	_ =	strace $0x90000047  }
0x93: {  	s0 =	stileid.u32;
	[bflag:$0x2] =	sbarrier.arrive $0xFFFF  }
0x94: {  	p0 =	sne.s32 s0, $0x0;
	s0 =	rddreg [dreg:$0x2]  }
0x95: {  	s0 =	sadd.s32 @!p0 $0x100000, s0  }
0x96: {  	[sflag:s0] =	ssyncadd.tile.s32 @!p0 $0x1;
	_ =	shalt  }
.Lfunc_end2:
_tile_overlayer_lowered:
.L_overlay_start_2:
0x97: {  	(tag) =	ssettag $0x2  }
0x98: {  	s0 =	rddreg [dreg:$0x0];
	s2 =	stileid.u32  }
0x99: {  	s1 =	rddreg [dreg:$0x1];
	p0 =	sne.s32 s2, $0x0  }
0x9a: {  	s3 =	rddreg [dreg:$0x2];
	[bflag:$0x3] =	sbarrier.arrive $0xFFFF;
	s2 =	simm.s32 @!p0 $0x1C05  }
0x9b: {  	[timem:s3], [sflag:s2] =	dma.local @!p0 [hbm:s0], s1  }
0x9c: {  	s0 =	simm.s32 @!p0 $0x5  }
0x9d: {  	_ =	swait.ge @!p0 [sflag:s0], s1  }
0x9e: {  	s1 =	ssub.s32 @!p0 $0x0, s1;
	[sflag:s0] =	ssyncset.done @!p0 $0x0  }
0x9f: {  	[sflag:s0] =	ssyncadd.s32 @!p0 s1  }
0xa0: {  	[bflag:$0x3] =	sbarrier.arrive $0xFFFF  }
0xa1: {  	_ =	shalt  }

// kernel: sparse-core-data-format-call.cloned.1.call-start
scs
called_computation_lowered:
.L_overlay_start_0:
0x0: {  	s2 =	sld [smem:$0x3FD9]  }
0x1: {  	s3 =	sld [smem:$0x3FFE];
	_ =	sdelay $0x1  }
0x2: {  	s1 =	srdreg.scid  }
0x3: {  	s0 =	sand.u32 $0x1, s1  }
0x4: {  	s18 =	sshll.u32 s0, $0xA;
	s2 =	sadd.s32 s3, s2  }
0x5: {  	s2 =	sadd.s32 s2, s18  }
0x6: {  	[smem:$0x3FC5] =	sst s2  }
0x7: {  	_ = 	snop  }
0x8: {  	s2 =	sld [smem:$0x3FD0];
	(tm) =	ssettm $0x1  }
0x9: {  	s19 =	sld [smem:$0x3FFB];
	_ =	sdelay $0x3  }
0xa: {  	_ =	strace s19  }
0xb: {  	s3 =	sld [smem:$0x3FFC];
	_ =	sdelay $0x3  }
0xc: {  	_ =	strace s3  }
0xd: {  	s3 =	sld [smem:$0x3FFD];
	_ =	sdelay $0x3  }
0xe: {  	_ =	strace s3  }
0xf: {  	_ =	strace $0x8FFFFFFF  }
0x10: {  	s20 =	sld [smem:$0x3FDB];
	_ =	sdelay $0x1  }
0x11: {  	s4 =	simm.s32 $_scs_section_size  }
0x12: {  	s5 =	simm.s32 $_size__tile_overlayer_lowered;
	s6 =	simm.s32 $_tile_overlayer_lowered  }
0x13: {  	s23 =	simm.s32 $0x1BFF;
	s22 =	sshll.u32 s6, $0x1;
	s3 =	sadd.s32 s4, s20  }
0x14: {  	s7 =	simm.s32 $0x0;
	s21 =	sshll.u32 s5, $0x1;
	s5 =	sadd.s32 s22, s3  }
0x15: {  	[timem:s7], [sflag:s23] =	dma.local [hbm:s5], s21  }
0x16: {  	_ =	swait.ge [sflag:s23], s21  }
0x17: {  	s4 =	ssub.s32 $0x0, s21;
	[sflag:s23] =	ssyncset.done $0x0  }
0x18: {  	[sflag:s23] =	ssyncadd.s32 s4;
	_ =	sdelay $0x1  }
0x19: {  	s24 =	simm.s32 $0x1B8B  }
0x1a: {  	_ =	swait.ge [sflag:s24], $0x1  }
0x1b: {  	[sflag:s24] =	ssyncset.done $0x0  }
0x1c: {  	s26 =	simm.s32 $0x1B8E;
	s25 =	sld [smem:$0x3FFE];
	[sflag:s24] =	ssyncadd.s32 $0xFFFFFFFF  }
0x1d: {  	s27 =	simm.s32 $execute0_lowered;
	[smem:$0x3FD2] =	sst s26  }
0x1e: {  	s5 =	sshll.u32 s27, $0x1;
	_ =	strace $0x80000049;
	[dreg:$0x1] =	wrdreg $0xFFFFFFFF  }
0x1f: {  	s28 =	simm.s32 $_size_execute0_lowered;
	s3 =	sadd.s32 s3, s5;
	[dreg:$0x0] =	wrdreg $0x0  }
0x20: {  	s5 =	sshll.u32 s28, $0x1;
	[dreg:$0x2] =	wrdreg s3  }
0x21: {  	[dreg:$0x3] =	wrdreg s5  }
0x22: {  	[dreg:$0x4] =	wrdreg $0xC0  }
0x23: {  	_ =	task [dreg:s7], $0x5FFFF  }
0x24: {  	[dreg:$0x1] =	wrdreg $0xFFFFFFFF  }
0x25: {  	[dreg:$0x0] =	wrdreg $0x60  }
0x26: {  	[dreg:$0x2] =	wrdreg s25  }
0x27: {  	[dreg:$0x3] =	wrdreg s2  }
0x28: {  	[dreg:$0x4] =	wrdreg $0x9  }
0x29: {  	_ =	task.clear_ibuf [dreg:s7], $0x5FFFF;
	_ =	strace $0x90000049  }
0x2a: {  	s29 =	simm.s32 $0x9;
	_ =	strace $0x8000004B  }
0x2b: {  	_ =	swait.ge [sflag:s29], $0x1  }
0x2c: {  	[sflag:s29] =	ssyncadd.s32 $0xFFFFFFFF  }
0x2d: {  	_ =	strace $0x9000004B  }
0x2e: {  	_ =	sfence  }
0x2f: {  	s30 =	sld [smem:$0x0];
	_ =	sdelay $0x2  }
0x30: {  	s31 =	sshll.u32 s1, $0xD;
	s1 =	sshrl.u32 s1, $0x2  }
0x31: {  	s3 =	sand.u32 $0x4000, s31;
	s1 =	sadd.s32 s1, s30  }
0x32: {  	s0 =	sor.u32 s3, s0;
	s1 =	sshll.u32 s1, $0x11  }
0x33: {  	s0 =	sor.u32 s1, s0  }
0x34: {  	s0 =	sadd.s32 $0x8F2B, s0  }
0x35: {  	[sflag:s0] =	ssyncadd.remote.s32 $0x1  }
0x36: {  	_ =	sfence.sel $0xFFFF  }
0x37: {  	[dreg:$0x0] =	wrdreg $0xFFFFFFFF;
	(pc) =	sbr.abs _section_cstart, $3  }
0x38: {  	[dreg:$0x1] =	wrdreg $0xFFFFFFFF  }
0x39: {  	_ =	task.clear_ibuf [dreg:s7], $0x2FFFF;
	_ =	strace $0x9FFFFFFF  }
0x3a: {  	(tm) =	ssettm $0x7FFFFFFF  }
0x3b: {  	_ =	shalt  }
tec
execute0_lowered:
.L_overlay_start_1:
0x0: {  	(tag) =	ssettag $0x1  }
0x1: {  	s7 =	rddreg [dreg:$0x0]  }
0x2: {  	s2 =	rddreg [dreg:$0x1]  }
0x3: {  	s0 =	stileid.u32;
	s1 =	srdreg.scid;
	s31 =	simm.s32 $0x2  }
0x4: {  	s14 =	simm.s32 $0x0;
	s15 =	simm.s32 $0x0;
	s13 =	simm.s32 $0x0  }
0x5: {  	s3 =	sshll.u32 s0, $0x5;
	s4 =	sshll.u32 s1, $0x9;
	s5 =	sshll.u32 s0, $0x1  }
0x6: {  	s1 =	rddreg [dreg:$0x2];
	s4 =	sor.u32 s3, s4;
	s3 =	sand.u32 $0x6, s5  }
0x7: {  	_ =	strace $0x8000004A;
	s4 =	sand.u32 $0x380, s4;
	s5 =	ssub.s32 $0xC8, s3  }
0x8: {  	s12 =	smov.u32 s3;
	s8 =	sshll.u32 s4, $0x4;
	s6 =	sand.u32 $0x6, s5  }
0x9: {  	s9 =	ssub.s32 $0x400, s4;
	s11 =	sshrl.u32 s5, $0x3;
	s5 =	simm.s32 $0x1  }
0xa: {  	p0 =	sne.s32 s6, $0x0;
	s6 =	simm.s32 $0x1;
	s10 =	sand.u32 $0x380, s9  }
0xb: {  	s6 =	simm.s32 @!p0 $0x0;
	p0 =	sne.s32 s10, $0x0;
	s10 =	simm.s32 $0x1  }
.Ltmp0:
0xc: {  	s9 =	sshrl.u32 s9, $0xA;
	s10 =	simm.s32 @!p0 $0x0;
	(pc) =	sbr.rel .LBB1_1-.Ltmp0, $4  }
0xd: {  	[sflag:s5] =	ssyncpa.u1 $0x0;
	s6 =	sadd.s32 s6, s11;
	s9 =	sadd.s32 s10, s9  }
0xe: {  	s8 =	sadd.s32 s8, s7;
	[sflag:s31] =	ssyncpa.u1 $0x0;
	s6 =	smul.u32 s6, s9  }
0xf: {  	s7 =	sadd.s32 $0xC00, s8;
	s8 =	sadd.s32 $0x4C00, s8;
	p0 =	por $0x0, $0x0  }
0x10: {  	s11 =	simm.s32 $0x2000;
	s10 =	simm.s32 $0x400;
	s9 =	sadd.s32 $0x1, s6  }
.LBB1_7:
0x11: {  	s16 =	sadd.s32 $0x8, s12  }
0x12: {  	p2 =	sgt.s32 s16, $0xC7  }
0x13: {  	s16 =	smov.u32 @p2 s3;
	p2 =	sne.s32 s13, s9  }
.Ltmp1:
0x14: {  	p1 =	slt.u32 s13, $0x2;
	(pc) =	sbr.rel @!p2 .LBB1_8-.Ltmp1, $4  }
0x15: {  	s14 =	simm.s32 @!p1 $0x2  }
0x16: {  	s17 =	sadd.s32 $0x1, s13;
	s15 =	smov.u32 s12;
	_ =	swait.ge @!p1 [sflag:s14], $0x4000  }
0x17: {  	p0 =	por !p0, !p0;
	s13 =	smov.u32 s17;
	[sflag:s14] =	ssyncset.done @!p1 $0x0  }
0x18: {  	s12 =	smov.u32 s16;
	[sflag:s14] =	ssyncadd.s32 @!p1 $0xFFFFC000;
	s14 =	smov.u32 s4  }
.LBB1_1:
0x19: {  	p1 =	sge.u32 s13, s6  }
0x1a: {  	s16 =	sxor.u32 @!p1 $0xFFFFFFFF, s13  }
0x1b: {  	s17 =	sshll.u32 @!p1 s12, $0xE;
	s19 =	simm.s32 @!p1 $0x40;
	s16 =	sshll.u32 @!p1 s16, $0xE  }
0x1c: {  	s20 =	simm.s32 @!p1 $0x80;
	s18 =	sadd.s32 @!p1 s17, s7;
	s16 =	sand.u32 @!p1 $0x4000, s16  }
0x1d: {  	[tilespmem:s16], [sflag:$0x1] =	stream.strided.gather @!p1 [hbm4b:s18+s19], $0x2000, s20, s19, $0x38;
	[tilespmem:$0x10100] =	vst v63  }
0x1e: {  	s31 =	sadd.s32 $0xFFFFFFFF, s13;
	s17 =	sadd.s32 @!p1 s17, s8;
	s16 =	sor.u32 @!p1 $0x2000, s16  }
0x1f: {  	[tilespmem:s16], [sflag:$0x1] =	stream.strided.gather @!p1 [hbm4b:s17+s19], $0x2000, s20, s19, $0x38;
	[tilespmem:$0x10100] =	vst v63  }
0x20: {  	p1 =	sge.u32 s31, s6  }
.Ltmp2:
0x21: {  	_ = 	snop;
	(pc) =	sbr.rel @p1 .LBB1_7-.Ltmp2, $1  }
0x22: {  	_ =	sdelay $0x3  }
0x23: {  	s16 =	simm.s32 $0x1;
	s18 =	sand.u32 $0x1, s13  }
0x24: {  	_ =	swait.ge [sflag:s5], $0x4000;
	s16 =	simm.s32 @!p0 $0x0;
	s18 =	smul.u32 $0x10200, s18  }
0x25: {  	p2 =	por $0x1, $0x1;
	[sflag:s5] =	ssyncset.done $0x0;
	s17 =	smul.u32 $0x10200, s16  }
0x26: {  	s19 =	sshll.u32 s16, $0x10;
	[sflag:s5] =	ssyncadd.s32 $0xFFFFC000;
	s30 =	sshrl.u32 s18, $0x2  }
0x27: {  	s31 =	sshrl.u32 s19, $0x2;
	s19 =	simm.s32 $0x0;
	s17 =	sshrl.u32 s17, $0x2  }
0x28: {  	s16 =	sor.u32 $0x8000, s30;
	s18 =	sadd.s32 $0x20, s31;
	s17 =	sor.u32 $0x8000, s17  }
.LBB1_3:
0x29: {  	s20 =	sshll.u32 s19, $0xD  }
0x2a: {  	s20 =	sand.u32 $0x3FFFE000, s20  }
0x2b: {  	s22 =	sadd.s32 s20, s18  }
0x2c: {  	s31 =	smul.u32 $0x8100, s19;
	v3 =	vld [tilespmem:s22+$0x10]  }
0x2d: {  	v1 =	vld [tilespmem:s22+$0xFFFFFFF0]  }
0x2e: {  	s19 =	sshra.s32 s31, $0x2;
	v0 =	vld [tilespmem:s22+$0x0]  }
0x2f: {  	s19 =	sadd.s32 s19, s17;
	v2 =	vld [tilespmem:s22+$0xFFFFFFE0]  }
0x30: {  	s20 =	sadd.s32 $0x0, s19  }
0x31: {  	p1 =	por p2, p2;
	s21 =	simm.s32 $0x4;
	s22 =	sadd.s32 $0x40, s22;
	[tilespmem:s20+$0x1830 ss:$0x81] =	vst.msk $0xffff, v3  }
.LBB1_4:
0x32: {  	v3 =	vld [tilespmem:s22+$0x10];
	p2 =	sne.s32 s21, $0x1FC;
	[tilespmem:s20+$0x810 ss:$0x81] =	vst.msk $0xffff, v1;
	s23 =	smov.u32 s21;
	s21 =	sadd.s32 $0x4, s21  }
.Ltmp3:
0x33: {  	v1 =	vld [tilespmem:s22+$0xFFFFFFF0];
	[tilespmem:s20+$0x1020 ss:$0x81] =	vst.msk $0xffff, v0;
	(pc) =	sbr.rel @p2 .LBB1_4-.Ltmp3, $4  }
0x34: {  	v0 =	vld [tilespmem:s22+$0x0];
	[tilespmem:s20+$0x0 ss:$0x81] =	vst.msk $0xffff, v2  }
0x35: {  	s20 =	sshra.s32 s23, $0x2;
	v2 =	vld [tilespmem:s22+$0xFFFFFFE0]  }
0x36: {  	s20 =	sadd.s32 s20, s19  }
0x37: {  	s22 =	sadd.s32 $0x40, s22;
	[tilespmem:s20+$0x1830 ss:$0x81] =	vst.msk $0xffff, v3  }
.Ltmp4:
0x38: {  	(pc) =	sbr.rel @p1 .LBB1_3-.Ltmp4, $4  }
0x39: {  	_ = 	snop  }
0x3a: {  	[tilespmem:s20+$0x810 ss:$0x81] =	vst.msk $0xffff, v1  }
0x3b: {  	[tilespmem:s20+$0x1020 ss:$0x81] =	vst.msk $0xffff, v0  }
0x3c: {  	s19 =	simm.s32 $0x1;
	p2 =	por $0x0, $0x0;
	[tilespmem:s20+$0x0 ss:$0x81] =	vst.msk $0xffff, v2  }
.Ltmp5:
0x3d: {  	(pc) =	sbr.rel .LBB1_7-.Ltmp5, $4  }
0x3e: {  	_ = 	snop  }
0x3f: {  	s15 =	sshll.u32 s15, $0xD;
	s14 =	sadd.s32 s2, s14  }
0x40: {  	s14 =	sadd.s32 s15, s14  }
0x41: {  	[hbm4b:s14+s10] =	stream.strided.scatter [tilespmem:s16], [sflag:$0x2], $0x4000, s11, s10, $0x20;
	[tilespmem:$0x10100] =	vst v63  }
.LBB1_8:
0x42: {  	_ =	sfence.sel $0x180000  }
0x43: {  	s2 =	simm.s32 $0x1;
	[bflag:$0x0] =	sbarrier.arrive $0xFFFF  }
0x44: {  	s31 =	simm.s32 $0x2;
	[sflag:s2] =	ssyncpa.u1 $0x1  }
0x45: {  	[sflag:s31] =	ssyncpa.u1 $0x1  }
0x46: {  	p0 =	sne.s32 s0, $0x0;
	_ =	strace $0x9000004A  }
0x47: {  	s0 =	sadd.s32 @!p0 $0x100000, s1;
	[bflag:$0x2] =	sbarrier.arrive $0xFFFF  }
0x48: {  	[sflag:s0] =	ssyncadd.tile.s32 @!p0 $0x1;
	_ =	shalt  }
.Lfunc_end1:
_tile_overlayer_lowered:
.L_overlay_start_2:
0x49: {  	(tag) =	ssettag $0x2  }
0x4a: {  	s0 =	rddreg [dreg:$0x0];
	s2 =	stileid.u32  }
0x4b: {  	s1 =	rddreg [dreg:$0x1];
	p0 =	sne.s32 s2, $0x0  }
0x4c: {  	s3 =	rddreg [dreg:$0x2];
	[bflag:$0x3] =	sbarrier.arrive $0xFFFF;
	s2 =	simm.s32 @!p0 $0x1C01  }
0x4d: {  	[timem:s3], [sflag:s2] =	dma.local @!p0 [hbm:s0], s1  }
0x4e: {  	s0 =	simm.s32 @!p0 $0x1  }
0x4f: {  	_ =	swait.ge @!p0 [sflag:s0], s1  }
0x50: {  	s1 =	ssub.s32 @!p0 $0x0, s1;
	[sflag:s0] =	ssyncset.done @!p0 $0x0  }
0x51: {  	[sflag:s0] =	ssyncadd.s32 @!p0 s1  }
0x52: {  	[bflag:$0x3] =	sbarrier.arrive $0xFFFF  }
0x53: {  	_ =	shalt  }

</sc_bundles>
